<compile_context>
chip_gen: v7x
topology: tpu7x:2x2x1
jax: 0.10.2.dev20260603
libtpu: 0.0.44.dev20260713+nightly
codegen_flags: <defaults>
</compile_context>

<pallas_src>
import functools

import jax
import jax.numpy as jnp
from jax import lax
from jax.experimental import pallas as pl
from jax.experimental.pallas import tpu as pltpu
from jax.experimental.pallas import tpu_sc as plsc

L_PLANES = 16
B = 8
T_B = 512
A = 512
T_BLK = 128
N_WORKERS = 32
WINDOW = 15
SENTINEL = 1024


def _sc_body(ti_hbm, vl_hbm, aidx_hbm, sumt_hbm, cam_v, vl_v, out_v, sumt_v):
    wid = lax.axis_index("s") * 2 + lax.axis_index("c")
    b = wid // 4
    t0 = (wid % 4) * T_BLK

    pltpu.sync_copy(ti_hbm.at[b], cam_v)
    pltpu.sync_copy(vl_hbm, vl_v)

    lane = lax.iota(jnp.int32, 16)
    t_vec = plsc.load_gather(vl_v, [jnp.full((16,), b, jnp.int32)])

    tmax = 2 * t_vec - 16
    lane_ok = lane < WINDOW

    def row(g, _):
        for u in range(4):
            r = g * 4 + u
            t = t0 + r
            start = jnp.minimum(tmax, jnp.maximum(0, 2 * t - 7))
            idx = start + lane
            idx = jnp.where(idx < 0, idx + 1024, idx)
            a = plsc.load_gather(cam_v, [idx])
            valid = (t < t_vec) & lane_ok
            a = jnp.where(valid, a, SENTINEL)
            out_v[pl.ds(r * 16, 16)] = a
        return _

    lax.fori_loop(0, T_BLK // 4, row, None)
    pltpu.sync_copy(out_v, aidx_hbm.at[b, pl.ds(t0 * 16, T_BLK * 16)])

    @pl.when(wid == 0)
    def _():
        idx8 = jnp.where(lane < B, lane, 0)
        vals = plsc.load_gather(vl_v, [idx8])
        vals = jnp.where(lane < B, vals, 0)
        s = jnp.sum(vals)
        sumt_v[...] = jnp.full((16,), s, jnp.int32)
        pltpu.sync_copy(sumt_v, sumt_hbm)


def _sc_gather(ti, vl16):
    fn = functools.partial(
        pl.kernel,
        mesh=plsc.VectorSubcoreMesh(
            core_axis_name="c", subcore_axis_name="s", num_cores=2
        ),
        compiler_params=pltpu.CompilerParams(needs_layout_passes=False),
        out_type=(
            jax.ShapeDtypeStruct((B, T_B * 16), jnp.int32),
            jax.ShapeDtypeStruct((16,), jnp.int32),
        ),
        scratch_types=[
            pltpu.VMEM((1024,), jnp.int32),
            pltpu.VMEM((8,), jnp.int32),
            pltpu.VMEM((T_BLK * 16,), jnp.int32),
            pltpu.VMEM((16,), jnp.int32),
        ],
    )(_sc_body)
    return fn(ti, vl16)


TC_BLK = 256


def _tc_body(aidx_ref, sumt_ref, att_ref, out_ref):
    b = pl.program_id(0)
    tb = pl.program_id(1)
    n_tb = T_B // TC_BLK

    @pl.when((b == 0) & (tb == 0))
    def _():
        out_ref[...] = jnp.zeros_like(out_ref)

    s = att_ref[0, 0, 0]
    for lh in range(1, L_PLANES):
        s = s + att_ref[lh // 8, 0, lh % 8]
    logp = jnp.log(s * (1.0 / L_PLANES) + 1e-8)
    cols = lax.broadcasted_iota(jnp.int32, (TC_BLK, A), 1)
    counts = jnp.zeros((TC_BLK, A), jnp.float32)
    for j in range(WINDOW):
        aj = aidx_ref[0, :, j : j + 1]
        counts += jnp.where(aj == cols, 1.0, 0.0)
    out_ref[...] = out_ref[...] + jnp.sum(counts * logp)

    @pl.when((b == B - 1) & (tb == n_tb - 1))
    def _():
        out_ref[...] = -out_ref[...] / sumt_ref[0, 0].astype(jnp.float32)


def _tc_loss(aidx, sumt, att):
    return pl.pallas_call(
        _tc_body,
        grid=(B, T_B // TC_BLK),
        in_specs=[
            pl.BlockSpec((1, TC_BLK, 16), lambda b, tb: (b, tb, 0)),
            pl.BlockSpec((1, 16), lambda b, tb: (0, 0)),
            pl.BlockSpec(
                (2, 1, 8, TC_BLK, A),
                lambda b, tb: (0, b, 0, tb, 0),
            ),
        ],
        out_specs=pl.BlockSpec((1, 1), lambda b, tb: (0, 0)),
        out_shape=jax.ShapeDtypeStruct((1, 1), jnp.float32),
    )(aidx, sumt, att)


def kernel(attention_scores, target_indices, video_length):
    ti = target_indices.astype(jnp.int32)
    vl = video_length.astype(jnp.int32)

    aidx_flat, sumt = _sc_gather(ti, vl)
    aidx = aidx_flat.reshape(B, T_B, 16)

    return _tc_loss(aidx, sumt.reshape(1, 16), attention_scores)[0, 0]

# --- scband reference (transcript-rebuilt; emitter-appended) ---
"""Pipeline reference for scband-maximize-attention-loss-11622181503388 (READ-ONLY COPY).

The authoritative reference and input builder live on the scoring server;
editing this copy changes nothing except your own understanding.
"""

import jax, jax.numpy as jnp
import numpy as np

STEP = 2
WINDOW_SIZE = 15


def setup_inputs(seed: int = 0) -> dict:
    key = jax.random.key(seed)
    k1, k2, k3 = jax.random.split(key, 3)
    attention_scores = jax.random.uniform(k1, (2, 8, 8, 512, 512), dtype=jnp.float32)
    target_indices = jax.random.randint(k2, (8, 1024), 0, 512)
    video_length = jax.random.randint(k3, (8,), 0, 512)
    return {"attention_scores": attention_scores, "target_indices": target_indices, "video_length": video_length}


def _build_labels(B, T_b, A, target_indices, video_length):
    labels = jnp.zeros((B * T_b, A), dtype=jnp.float32)
    t = jnp.arange(T_b, dtype=jnp.int32)
    offsets = jnp.arange(WINDOW_SIZE, dtype=jnp.int32)
    for b in range(B):
        T = video_length[b].astype(jnp.int32)
        cam = target_indices[b]
        centers = STEP * t
        start = jnp.maximum(jnp.zeros(T_b, dtype=jnp.int32), centers - WINDOW_SIZE // 2)
        start = jnp.minimum(jnp.full((T_b,), 2 * T - 1 - WINDOW_SIZE, dtype=jnp.int32), start)
        indices = start[:, None] + offsets
        audio_indices = cam[indices]
        rows = (T_b * b + t)[:, None]
        rows = jnp.broadcast_to(rows, (T_b, WINDOW_SIZE))
        vals = jnp.where(t < T, 1.0, 0.0).astype(jnp.float32)[:, None]
        vals = jnp.broadcast_to(vals, (T_b, WINDOW_SIZE))
        labels = labels.at[rows, audio_indices].add(vals)
    return labels


def reference(attention_scores, target_indices, video_length):
    L, B, H, T_b, A = attention_scores.shape
    att = jnp.sum(attention_scores, axis=0) / L
    att = jnp.sum(att, axis=1) / H
    att = att.reshape(-1, A)
    labels = _build_labels(B, T_b, A, target_indices, video_length)
    total_loss = -jnp.sum(labels * jnp.log(att + 1e-08)) / jnp.sum(video_length)
    return total_loss

if __name__ == "__main__":
    import jax
    _d = setup_inputs()
    print(jax.jit(kernel)(*tuple(_d.values())))

</pallas_src>

<mosaic_0001>
#map = affine_map<(d0, d1) -> (0, 0)>
#map1 = affine_map<(d0, d1) -> (0)>
module attributes {stable_mosaic.version = 14 : i64} {
  func.func @_sc_body(%arg0: i32, %arg1: i32, %arg2: memref<8x1024xi32, #tpu.memory_space<hbm>>, %arg3: memref<8xi32, #tpu.memory_space<hbm>>, %arg4: memref<8x8192xi32, #tpu.memory_space<hbm>>, %arg5: memref<16xi32, #tpu.memory_space<hbm>>, %arg6: memref<1024xi32, #tpu.memory_space<vmem>>, %arg7: memref<8xi32, #tpu.memory_space<vmem>>, %arg8: memref<2048xi32, #tpu.memory_space<vmem>>, %arg9: memref<16xi32, #tpu.memory_space<vmem>>) attributes {dimension_semantics = [#tpu.dimension_semantics<core_parallel>, #tpu.dimension_semantics<subcore_parallel>], iteration_bounds = array<i64: 2, 16>, scalar_prefetch = 0 : i64, scratch_operands = 4 : i64, tpu.core_type = #tpu.core_type<sc_vector_subcore>, window_params = [{transform_indices = #map}, {transform_indices = #map1}, {transform_indices = #map}, {transform_indices = #map1}]} {
    %mul3A = arith.constant 2 : i32
    %mul3A_0 = arith.muli %arg1, %mul3A : i32
    %add3A = arith.addi %mul3A_0, %arg0 : i32
    %jit3A = arith.constant 4 : i32
    %div3A = arith.divsi %add3A, %jit3A : i32
    %sign3A = arith.constant 0 : i32
    %sign3A_1 = arith.cmpi sgt, %add3A, %sign3A : i32
    %sign3A_2 = arith.extui %sign3A_1 : i1 to i32
    %sign3A_3 = arith.constant 0 : i32
    %sign3A_4 = arith.cmpi slt, %add3A, %sign3A_3 : i32
    %sign3A_5 = arith.extui %sign3A_4 : i1 to i32
    %sign3A_6 = arith.subi %sign3A_2, %sign3A_5 : i32
    %sign3A_7 = arith.constant 0 : i32
    %sign3A_8 = arith.cmpi sgt, %jit3A, %sign3A_7 : i32
    %sign3A_9 = arith.extui %sign3A_8 : i1 to i32
    %sign3A_10 = arith.constant 0 : i32
    %sign3A_11 = arith.cmpi slt, %jit3A, %sign3A_10 : i32
    %sign3A_12 = arith.extui %sign3A_11 : i1 to i32
    %sign3A_13 = arith.subi %sign3A_9, %sign3A_12 : i32
    %ne3A = arith.cmpi ne, %sign3A_6, %sign3A_13 : i32
    %rem3A = arith.remsi %add3A, %jit3A : i32
    %ne3A_14 = arith.constant 0 : i32
    %ne3A_15 = arith.cmpi ne, %rem3A, %ne3A_14 : i32
    %and3A = arith.andi %ne3A, %ne3A_15 : i1
    %sub3A = arith.constant 1 : i32
    %sub3A_16 = arith.subi %div3A, %sub3A : i32
    %select_n3A = arith.select %and3A, %sub3A_16, %div3A : i32
    %jit3A_17 = arith.constant 4 : i32
    %eq3A = arith.constant 0 : i32
    %eq3A_18 = arith.cmpi eq, %jit3A_17, %eq3A : i32
    %jit3A_19 = arith.constant 1 : i32
    %select_n3A_20 = arith.select %eq3A_18, %jit3A_19, %jit3A_17 : i32
    %rem3A_21 = arith.remsi %add3A, %select_n3A_20 : i32
    %ne3A_22 = arith.constant 0 : i32
    %ne3A_23 = arith.cmpi ne, %rem3A_21, %ne3A_22 : i32
    %lt3A = arith.constant 0 : i32
    %lt3A_24 = arith.cmpi slt, %rem3A_21, %lt3A : i32
    %lt3A_25 = arith.constant 0 : i32
    %lt3A_26 = arith.cmpi slt, %select_n3A_20, %lt3A_25 : i32
    %ne3A_27 = arith.xori %lt3A_24, %lt3A_26 : i1
    %and3A_28 = arith.andi %ne3A_27, %ne3A_23 : i1
    %add3A_29 = arith.addi %rem3A_21, %select_n3A_20 : i32
    %select_n3A_30 = arith.select %and3A_28, %add3A_29, %rem3A_21 : i32
    %mul3A_31 = arith.constant 128 : i32
    %mul3A_32 = arith.muli %select_n3A_30, %mul3A_31 : i32
    "tpu.region"() ({
      %run_scoped3A = tpu.sem_alloc : memref<!tpu.dma_semaphore, #tpu.memory_space<semaphore_mem>>
      %dma_start3A = arith.constant 0 : i32
      %dma_start3A_51 = tpu.memref_slice %arg2[%select_n3A, %dma_start3A] : memref<8x1024xi32, #tpu.memory_space<hbm>> -> memref<1x1024xi32, #tpu.memory_space<hbm>>
      %dma_start3A_52 = tpu.memref_squeeze %dma_start3A_51 : memref<1x1024xi32, #tpu.memory_space<hbm>> -> memref<1024xi32, #tpu.memory_space<hbm>>
      %dma_start3A_53 = arith.constant 0 : i32
      %dma_start3A_54 = tpu.memref_slice %arg2[%select_n3A, %dma_start3A_53] : memref<8x1024xi32, #tpu.memory_space<hbm>> -> memref<1x1024xi32, #tpu.memory_space<hbm>>
      %dma_start3A_55 = tpu.memref_squeeze %dma_start3A_54 : memref<1x1024xi32, #tpu.memory_space<hbm>> -> memref<1024xi32, #tpu.memory_space<hbm>>
      tpu.enqueue_dma source(%dma_start3A_55 : memref<1024xi32, #tpu.memory_space<hbm>>) target(%arg6 : memref<1024xi32, #tpu.memory_space<vmem>>) target_semaphore(%run_scoped3A : memref<!tpu.dma_semaphore, #tpu.memory_space<semaphore_mem>>)
      %dma_wait3A = arith.constant 0 : i32
      %dma_wait3A_56 = tpu.memref_slice %arg2[%select_n3A, %dma_wait3A] : memref<8x1024xi32, #tpu.memory_space<hbm>> -> memref<1x1024xi32, #tpu.memory_space<hbm>>
      %dma_wait3A_57 = tpu.memref_squeeze %dma_wait3A_56 : memref<1x1024xi32, #tpu.memory_space<hbm>> -> memref<1024xi32, #tpu.memory_space<hbm>>
      %dma_wait3A_58 = arith.constant 0 : i32
      %dma_wait3A_59 = tpu.memref_slice %arg2[%select_n3A, %dma_wait3A_58] : memref<8x1024xi32, #tpu.memory_space<hbm>> -> memref<1x1024xi32, #tpu.memory_space<hbm>>
      %dma_wait3A_60 = tpu.memref_squeeze %dma_wait3A_59 : memref<1x1024xi32, #tpu.memory_space<hbm>> -> memref<1024xi32, #tpu.memory_space<hbm>>
      tpu.wait_dma2 semaphore(%run_scoped3A : memref<!tpu.dma_semaphore, #tpu.memory_space<semaphore_mem>>) src(%dma_wait3A_60 : memref<1024xi32, #tpu.memory_space<hbm>>) dst(%arg6 : memref<1024xi32, #tpu.memory_space<vmem>>)
      tpu.yield
    }) : () -> ()
    "tpu.region"() ({
      %run_scoped3A = tpu.sem_alloc : memref<!tpu.dma_semaphore, #tpu.memory_space<semaphore_mem>>
      tpu.enqueue_dma source(%arg3 : memref<8xi32, #tpu.memory_space<hbm>>) target(%arg7 : memref<8xi32, #tpu.memory_space<vmem>>) target_semaphore(%run_scoped3A : memref<!tpu.dma_semaphore, #tpu.memory_space<semaphore_mem>>)
      tpu.wait_dma2 semaphore(%run_scoped3A : memref<!tpu.dma_semaphore, #tpu.memory_space<semaphore_mem>>) src(%arg3 : memref<8xi32, #tpu.memory_space<hbm>>) dst(%arg7 : memref<8xi32, #tpu.memory_space<vmem>>)
      tpu.yield
    }) : () -> ()
    %iota3A = tpu.iota {dimensions = array<i32: 0>} : vector<16xi32>
    %broadcast_in_dim3A = vector.broadcast %select_n3A : i32 to vector<16xi32>
    %gather3A = tpu.vector_load_idx %arg7[%broadcast_in_dim3A] : memref<8xi32, #tpu.memory_space<vmem>>[vector<16xi32>], vector<16xi32>,
    %mul3A_33 = arith.constant 2 : i32
    %mul3A_34 = vector.broadcast %mul3A_33 : i32 to vector<16xi32>
    %mul3A_35 = arith.muli %mul3A_34, %gather3A : vector<16xi32>
    %sub3A_36 = arith.constant 16 : i32
    %sub3A_37 = vector.broadcast %sub3A_36 : i32 to vector<16xi32>
    %sub3A_38 = arith.subi %mul3A_35, %sub3A_37 : vector<16xi32>
    %lt3A_39 = arith.constant 15 : i32
    %lt3A_40 = vector.broadcast %lt3A_39 : i32 to vector<16xi32>
    %lt3A_41 = arith.cmpi slt, %iota3A, %lt3A_40 : vector<16xi32>
    %scan3A = arith.constant 0 : i32
    %scan3A_42 = arith.constant 32 : i32
    %scan3A_43 = arith.addi %scan3A, %scan3A_42 : i32
    %scan3A_44 = arith.constant 1 : i32
    scf.for %scan3A_51 = %scan3A to %scan3A_43 step %scan3A_44  : i32 {
      %mul3A_52 = arith.constant 4 : i32
      %mul3A_53 = arith.muli %scan3A_51, %mul3A_52 : i32
      %add3A_54 = arith.constant 0 : i32
      %add3A_55 = arith.addi %mul3A_53, %add3A_54 : i32
      %add3A_56 = arith.addi %mul3A_32, %add3A_55 : i32
      %mul3A_57 = arith.constant 2 : i32
      %mul3A_58 = arith.muli %mul3A_57, %add3A_56 : i32
      %sub3A_59 = arith.constant 7 : i32
      %sub3A_60 = arith.subi %mul3A_58, %sub3A_59 : i32
      %max3A = arith.constant 0 : i32
      %max3A_61 = arith.maxsi %max3A, %sub3A_60 : i32
      %min3A = vector.broadcast %max3A_61 : i32 to vector<16xi32>
      %min3A_62 = arith.minsi %sub3A_38, %min3A : vector<16xi32>
      %add3A_63 = arith.addi %min3A_62, %iota3A : vector<16xi32>
      %lt3A_64 = arith.constant 0 : i32
      %lt3A_65 = vector.broadcast %lt3A_64 : i32 to vector<16xi32>
      %lt3A_66 = arith.cmpi slt, %add3A_63, %lt3A_65 : vector<16xi32>
      %add3A_67 = arith.constant 1024 : i32
      %add3A_68 = vector.broadcast %add3A_67 : i32 to vector<16xi32>
      %add3A_69 = arith.addi %add3A_63, %add3A_68 : vector<16xi32>
      %select_n3A_70 = arith.select %lt3A_66, %add3A_69, %add3A_63 : vector<16xi1>, vector<16xi32>
      %gather3A_71 = tpu.vector_load_idx %arg6[%select_n3A_70] : memref<1024xi32, #tpu.memory_space<vmem>>[vector<16xi32>], vector<16xi32>,
      %lt3A_72 = vector.broadcast %add3A_56 : i32 to vector<16xi32>
      %lt3A_73 = arith.cmpi slt, %lt3A_72, %gather3A : vector<16xi32>
      %and3A_74 = arith.andi %lt3A_73, %lt3A_41 : vector<16xi1>
      %jit3A_75 = arith.constant 1024 : i32
      %broadcast_in_dim3A_76 = vector.broadcast %jit3A_75 : i32 to vector<16xi32>
      %select_n3A_77 = arith.select %and3A_74, %gather3A_71, %broadcast_in_dim3A_76 : vector<16xi1>, vector<16xi32>
      %mul3A_78 = arith.constant 16 : i32
      %mul3A_79 = arith.muli %add3A_55, %mul3A_78 : i32
      %swap3A = arith.index_cast %mul3A_79 : i32 to index
      %swap3A_80 = tpu.vector_load %arg8[%swap3A] {strides = array<i32>} : memref<2048xi32, #tpu.memory_space<vmem>>, vector<16xi32>,
      tpu.vector_store %arg8[%swap3A], %select_n3A_77 {strides = array<i32>} : memref<2048xi32, #tpu.memory_space<vmem>>, vector<16xi32>,
      %mul3A_81 = arith.constant 4 : i32
      %mul3A_82 = arith.muli %scan3A_51, %mul3A_81 : i32
      %add3A_83 = arith.constant 1 : i32
      %add3A_84 = arith.addi %mul3A_82, %add3A_83 : i32
      %add3A_85 = arith.addi %mul3A_32, %add3A_84 : i32
      %mul3A_86 = arith.constant 2 : i32
      %mul3A_87 = arith.muli %mul3A_86, %add3A_85 : i32
      %sub3A_88 = arith.constant 7 : i32
      %sub3A_89 = arith.subi %mul3A_87, %sub3A_88 : i32
      %max3A_90 = arith.constant 0 : i32
      %max3A_91 = arith.maxsi %max3A_90, %sub3A_89 : i32
      %min3A_92 = vector.broadcast %max3A_91 : i32 to vector<16xi32>
      %min3A_93 = arith.minsi %sub3A_38, %min3A_92 : vector<16xi32>
      %add3A_94 = arith.addi %min3A_93, %iota3A : vector<16xi32>
      %lt3A_95 = arith.constant 0 : i32
      %lt3A_96 = vector.broadcast %lt3A_95 : i32 to vector<16xi32>
      %lt3A_97 = arith.cmpi slt, %add3A_94, %lt3A_96 : vector<16xi32>
      %add3A_98 = arith.constant 1024 : i32
      %add3A_99 = vector.broadcast %add3A_98 : i32 to vector<16xi32>
      %add3A_100 = arith.addi %add3A_94, %add3A_99 : vector<16xi32>
      %select_n3A_101 = arith.select %lt3A_97, %add3A_100, %add3A_94 : vector<16xi1>, vector<16xi32>
      %gather3A_102 = tpu.vector_load_idx %arg6[%select_n3A_101] : memref<1024xi32, #tpu.memory_space<vmem>>[vector<16xi32>], vector<16xi32>,
      %lt3A_103 = vector.broadcast %add3A_85 : i32 to vector<16xi32>
      %lt3A_104 = arith.cmpi slt, %lt3A_103, %gather3A : vector<16xi32>
      %and3A_105 = arith.andi %lt3A_104, %lt3A_41 : vector<16xi1>
      %jit3A_106 = arith.constant 1024 : i32
      %broadcast_in_dim3A_107 = vector.broadcast %jit3A_106 : i32 to vector<16xi32>
      %select_n3A_108 = arith.select %and3A_105, %gather3A_102, %broadcast_in_dim3A_107 : vector<16xi1>, vector<16xi32>
      %mul3A_109 = arith.constant 16 : i32
      %mul3A_110 = arith.muli %add3A_84, %mul3A_109 : i32
      %swap3A_111 = arith.index_cast %mul3A_110 : i32 to index
      %swap3A_112 = tpu.vector_load %arg8[%swap3A_111] {strides = array<i32>} : memref<2048xi32, #tpu.memory_space<vmem>>, vector<16xi32>,
      tpu.vector_store %arg8[%swap3A_111], %select_n3A_108 {strides = array<i32>} : memref<2048xi32, #tpu.memory_space<vmem>>, vector<16xi32>,
      %mul3A_113 = arith.constant 4 : i32
      %mul3A_114 = arith.muli %scan3A_51, %mul3A_113 : i32
      %add3A_115 = arith.constant 2 : i32
      %add3A_116 = arith.addi %mul3A_114, %add3A_115 : i32
      %add3A_117 = arith.addi %mul3A_32, %add3A_116 : i32
      %mul3A_118 = arith.constant 2 : i32
      %mul3A_119 = arith.muli %mul3A_118, %add3A_117 : i32
      %sub3A_120 = arith.constant 7 : i32
      %sub3A_121 = arith.subi %mul3A_119, %sub3A_120 : i32
      %max3A_122 = arith.constant 0 : i32
      %max3A_123 = arith.maxsi %max3A_122, %sub3A_121 : i32
      %min3A_124 = vector.broadcast %max3A_123 : i32 to vector<16xi32>
      %min3A_125 = arith.minsi %sub3A_38, %min3A_124 : vector<16xi32>
      %add3A_126 = arith.addi %min3A_125, %iota3A : vector<16xi32>
      %lt3A_127 = arith.constant 0 : i32
      %lt3A_128 = vector.broadcast %lt3A_127 : i32 to vector<16xi32>
      %lt3A_129 = arith.cmpi slt, %add3A_126, %lt3A_128 : vector<16xi32>
      %add3A_130 = arith.constant 1024 : i32
      %add3A_131 = vector.broadcast %add3A_130 : i32 to vector<16xi32>
      %add3A_132 = arith.addi %add3A_126, %add3A_131 : vector<16xi32>
      %select_n3A_133 = arith.select %lt3A_129, %add3A_132, %add3A_126 : vector<16xi1>, vector<16xi32>
      %gather3A_134 = tpu.vector_load_idx %arg6[%select_n3A_133] : memref<1024xi32, #tpu.memory_space<vmem>>[vector<16xi32>], vector<16xi32>,
      %lt3A_135 = vector.broadcast %add3A_117 : i32 to vector<16xi32>
      %lt3A_136 = arith.cmpi slt, %lt3A_135, %gather3A : vector<16xi32>
      %and3A_137 = arith.andi %lt3A_136, %lt3A_41 : vector<16xi1>
      %jit3A_138 = arith.constant 1024 : i32
      %broadcast_in_dim3A_139 = vector.broadcast %jit3A_138 : i32 to vector<16xi32>
      %select_n3A_140 = arith.select %and3A_137, %gather3A_134, %broadcast_in_dim3A_139 : vector<16xi1>, vector<16xi32>
      %mul3A_141 = arith.constant 16 : i32
      %mul3A_142 = arith.muli %add3A_116, %mul3A_141 : i32
      %swap3A_143 = arith.index_cast %mul3A_142 : i32 to index
      %swap3A_144 = tpu.vector_load %arg8[%swap3A_143] {strides = array<i32>} : memref<2048xi32, #tpu.memory_space<vmem>>, vector<16xi32>,
      tpu.vector_store %arg8[%swap3A_143], %select_n3A_140 {strides = array<i32>} : memref<2048xi32, #tpu.memory_space<vmem>>, vector<16xi32>,
      %mul3A_145 = arith.constant 4 : i32
      %mul3A_146 = arith.muli %scan3A_51, %mul3A_145 : i32
      %add3A_147 = arith.constant 3 : i32
      %add3A_148 = arith.addi %mul3A_146, %add3A_147 : i32
      %add3A_149 = arith.addi %mul3A_32, %add3A_148 : i32
      %mul3A_150 = arith.constant 2 : i32
      %mul3A_151 = arith.muli %mul3A_150, %add3A_149 : i32
      %sub3A_152 = arith.constant 7 : i32
      %sub3A_153 = arith.subi %mul3A_151, %sub3A_152 : i32
      %max3A_154 = arith.constant 0 : i32
      %max3A_155 = arith.maxsi %max3A_154, %sub3A_153 : i32
      %min3A_156 = vector.broadcast %max3A_155 : i32 to vector<16xi32>
      %min3A_157 = arith.minsi %sub3A_38, %min3A_156 : vector<16xi32>
      %add3A_158 = arith.addi %min3A_157, %iota3A : vector<16xi32>
      %lt3A_159 = arith.constant 0 : i32
      %lt3A_160 = vector.broadcast %lt3A_159 : i32 to vector<16xi32>
      %lt3A_161 = arith.cmpi slt, %add3A_158, %lt3A_160 : vector<16xi32>
      %add3A_162 = arith.constant 1024 : i32
      %add3A_163 = vector.broadcast %add3A_162 : i32 to vector<16xi32>
      %add3A_164 = arith.addi %add3A_158, %add3A_163 : vector<16xi32>
      %select_n3A_165 = arith.select %lt3A_161, %add3A_164, %add3A_158 : vector<16xi1>, vector<16xi32>
      %gather3A_166 = tpu.vector_load_idx %arg6[%select_n3A_165] : memref<1024xi32, #tpu.memory_space<vmem>>[vector<16xi32>], vector<16xi32>,
      %lt3A_167 = vector.broadcast %add3A_149 : i32 to vector<16xi32>
      %lt3A_168 = arith.cmpi slt, %lt3A_167, %gather3A : vector<16xi32>
      %and3A_169 = arith.andi %lt3A_168, %lt3A_41 : vector<16xi1>
      %jit3A_170 = arith.constant 1024 : i32
      %broadcast_in_dim3A_171 = vector.broadcast %jit3A_170 : i32 to vector<16xi32>
      %select_n3A_172 = arith.select %and3A_169, %gather3A_166, %broadcast_in_dim3A_171 : vector<16xi1>, vector<16xi32>
      %mul3A_173 = arith.constant 16 : i32
      %mul3A_174 = arith.muli %add3A_148, %mul3A_173 : i32
      %swap3A_175 = arith.index_cast %mul3A_174 : i32 to index
      %swap3A_176 = tpu.vector_load %arg8[%swap3A_175] {strides = array<i32>} : memref<2048xi32, #tpu.memory_space<vmem>>, vector<16xi32>,
      tpu.vector_store %arg8[%swap3A_175], %select_n3A_172 {strides = array<i32>} : memref<2048xi32, #tpu.memory_space<vmem>>, vector<16xi32>,
    }
    %scan3A_45 = arith.constant 32 : i32
    %mul3A_46 = arith.constant 16 : i32
    %mul3A_47 = arith.muli %mul3A_32, %mul3A_46 : i32
    "tpu.region"() ({
      %run_scoped3A = tpu.sem_alloc : memref<!tpu.dma_semaphore, #tpu.memory_space<semaphore_mem>>
      %dma_start3A = tpu.memref_slice %arg4[%select_n3A, %mul3A_47] : memref<8x8192xi32, #tpu.memory_space<hbm>> -> memref<1x2048xi32, #tpu.memory_space<hbm>>
      %dma_start3A_51 = tpu.memref_squeeze %dma_start3A : memref<1x2048xi32, #tpu.memory_space<hbm>> -> memref<2048xi32, #tpu.memory_space<hbm>>
      %dma_start3A_52 = tpu.memref_slice %arg4[%select_n3A, %mul3A_47] : memref<8x8192xi32, #tpu.memory_space<hbm>> -> memref<1x2048xi32, #tpu.memory_space<hbm>>
      %dma_start3A_53 = tpu.memref_squeeze %dma_start3A_52 : memref<1x2048xi32, #tpu.memory_space<hbm>> -> memref<2048xi32, #tpu.memory_space<hbm>>
      tpu.enqueue_dma source(%arg8 : memref<2048xi32, #tpu.memory_space<vmem>>) target(%dma_start3A_53 : memref<2048xi32, #tpu.memory_space<hbm>>) target_semaphore(%run_scoped3A : memref<!tpu.dma_semaphore, #tpu.memory_space<semaphore_mem>>)
      %dma_wait3A = tpu.memref_slice %arg4[%select_n3A, %mul3A_47] : memref<8x8192xi32, #tpu.memory_space<hbm>> -> memref<1x2048xi32, #tpu.memory_space<hbm>>
      %dma_wait3A_54 = tpu.memref_squeeze %dma_wait3A : memref<1x2048xi32, #tpu.memory_space<hbm>> -> memref<2048xi32, #tpu.memory_space<hbm>>
      %dma_wait3A_55 = tpu.memref_slice %arg4[%select_n3A, %mul3A_47] : memref<8x8192xi32, #tpu.memory_space<hbm>> -> memref<1x2048xi32, #tpu.memory_space<hbm>>
      %dma_wait3A_56 = tpu.memref_squeeze %dma_wait3A_55 : memref<1x2048xi32, #tpu.memory_space<hbm>> -> memref<2048xi32, #tpu.memory_space<hbm>>
      tpu.wait_dma2 semaphore(%run_scoped3A : memref<!tpu.dma_semaphore, #tpu.memory_space<semaphore_mem>>) src(%arg8 : memref<2048xi32, #tpu.memory_space<vmem>>) dst(%dma_wait3A_56 : memref<2048xi32, #tpu.memory_space<hbm>>)
      tpu.yield
    }) : () -> ()
    %eq3A_48 = arith.constant 0 : i32
    %eq3A_49 = arith.cmpi eq, %add3A, %eq3A_48 : i32
    %convert_element_type3A = arith.extui %eq3A_49 : i1 to i32
    %cond3A = arith.constant 0 : i32
    %cond3A_50 = arith.cmpi ne, %convert_element_type3A, %cond3A : i32
    scf.if %cond3A_50 {
      %lt3A_51 = arith.constant 8 : i32
      %lt3A_52 = vector.broadcast %lt3A_51 : i32 to vector<16xi32>
      %lt3A_53 = arith.cmpi slt, %iota3A, %lt3A_52 : vector<16xi32>
      %jit3A_54 = arith.constant 0 : i32
      %broadcast_in_dim3A_55 = vector.broadcast %jit3A_54 : i32 to vector<16xi32>
      %select_n3A_56 = arith.select %lt3A_53, %iota3A, %broadcast_in_dim3A_55 : vector<16xi1>, vector<16xi32>
      %gather3A_57 = tpu.vector_load_idx %arg7[%select_n3A_56] : memref<8xi32, #tpu.memory_space<vmem>>[vector<16xi32>], vector<16xi32>,
      %lt3A_58 = arith.constant 8 : i32
      %lt3A_59 = vector.broadcast %lt3A_58 : i32 to vector<16xi32>
      %lt3A_60 = arith.cmpi slt, %iota3A, %lt3A_59 : vector<16xi32>
      %jit3A_61 = arith.constant 0 : i32
      %broadcast_in_dim3A_62 = vector.broadcast %jit3A_61 : i32 to vector<16xi32>
      %select_n3A_63 = arith.select %lt3A_60, %gather3A_57, %broadcast_in_dim3A_62 : vector<16xi1>, vector<16xi32>
      %reduce_sum3A = arith.constant true
      %reduce_sum3A_64 = vector.broadcast %reduce_sum3A : i1 to vector<16xi1>
      %reduce_sum3A_65 = tpu.scan <sum>, %select_n3A_63 masked %reduce_sum3A_64 : vector<16xi32>, vector<16xi1> -> vector<16xi32>
      %reduce_sum3A_66 = vector.extract %reduce_sum3A_65[15] : i32 from vector<16xi32>
      %broadcast_in_dim3A_67 = vector.broadcast %reduce_sum3A_66 : i32 to vector<16xi32>
      %swap3A = arith.constant 0 : index
      %swap3A_68 = tpu.vector_load %arg9[%swap3A] {strides = array<i32>} : memref<16xi32, #tpu.memory_space<vmem>>, vector<16xi32>,
      tpu.vector_store %arg9[%swap3A], %broadcast_in_dim3A_67 {strides = array<i32>} : memref<16xi32, #tpu.memory_space<vmem>>, vector<16xi32>,
      "tpu.region"() ({
        %run_scoped3A = tpu.sem_alloc : memref<!tpu.dma_semaphore, #tpu.memory_space<semaphore_mem>>
        tpu.enqueue_dma source(%arg9 : memref<16xi32, #tpu.memory_space<vmem>>) target(%arg5 : memref<16xi32, #tpu.memory_space<hbm>>) target_semaphore(%run_scoped3A : memref<!tpu.dma_semaphore, #tpu.memory_space<semaphore_mem>>)
        tpu.wait_dma2 semaphore(%run_scoped3A : memref<!tpu.dma_semaphore, #tpu.memory_space<semaphore_mem>>) src(%arg9 : memref<16xi32, #tpu.memory_space<vmem>>) dst(%arg5 : memref<16xi32, #tpu.memory_space<hbm>>)
        tpu.yield
      }) : () -> ()
    } else {
    }
    return
  }
}

module attributes {stable_mosaic.version = 14 : i64} {
  func.func @_tc_body(%arg0: i32, %arg1: i32, %arg2: memref<1x256x16xi32, #tpu.memory_space<vmem>>, %arg3: memref<1x16xi32, #tpu.memory_space<vmem>>, %arg4: memref<2x1x8x256x512xf32, #tpu.memory_space<vmem>>, %arg5: memref<1x1xf32, #tpu.memory_space<vmem>>) attributes {dimension_semantics = [#tpu.dimension_semantics<arbitrary>, #tpu.dimension_semantics<arbitrary>], iteration_bounds = array<i64: 8, 2>, scalar_prefetch = 0 : i64, scratch_operands = 0 : i64, tpu.core_type = #tpu.core_type<tc>, window_params = [{transform_indices = @transform_0, window_bounds = array<i64: 1, 256, 16>}, {pipeline_mode = #tpu.pipeline_mode<synchronous>, transform_indices = @transform_1, window_bounds = array<i64: 1, 16>}, {transform_indices = @transform_2, window_bounds = array<i64: 2, 1, 8, 256, 512>}, {pipeline_mode = #tpu.pipeline_mode<synchronous>, transform_indices = @transform_3, window_bounds = array<i64: 1, 1>}]} {
    %eq3A = arith.constant 0 : i32
    %eq3A_0 = arith.cmpi eq, %arg0, %eq3A : i32
    %eq3A_1 = arith.constant 0 : i32
    %eq3A_2 = arith.cmpi eq, %arg1, %eq3A_1 : i32
    %and3A = arith.andi %eq3A_0, %eq3A_2 : i1
    %convert_element_type3A = arith.extui %and3A : i1 to i32
    %cond3A = arith.constant 0 : i32
    %cond3A_3 = arith.cmpi ne, %convert_element_type3A, %cond3A : i32
    scf.if %cond3A_3 {
      %broadcast_in_dim3A_348 = arith.constant 0.000000e+00 : f32
      %broadcast_in_dim3A_349 = vector.broadcast %broadcast_in_dim3A_348 : f32 to vector<1x1xf32>
      %swap3A_350 = arith.constant 0 : index
      %swap3A_351 = arith.constant 0 : index
      %swap3A_352 = vector.load %arg5[%swap3A_350, %swap3A_351] : memref<1x1xf32, #tpu.memory_space<vmem>>, vector<1x1xf32>
      tpu.vector_store %arg5[%swap3A_350, %swap3A_351], %broadcast_in_dim3A_349 {strides = array<i32>} : memref<1x1xf32, #tpu.memory_space<vmem>>, vector<1x1xf32>,
    } else {
    }
    %get3A = arith.constant 0 : index
    %get3A_4 = arith.constant 0 : index
    %get3A_5 = arith.constant 0 : index
    %get3A_6 = arith.constant 0 : index
    %get3A_7 = arith.constant 0 : index
    %get3A_8 = vector.load %arg4[%get3A, %get3A_4, %get3A_5, %get3A_6, %get3A_7] : memref<2x1x8x256x512xf32, #tpu.memory_space<vmem>>, vector<1x1x1x256x512xf32>
    %get3A_9 = vector.shape_cast %get3A_8 : vector<1x1x1x256x512xf32> to vector<256x512xf32>
    %get3A_10 = arith.constant 0 : index
    %get3A_11 = arith.constant 0 : index
    %get3A_12 = arith.constant 1 : index
    %get3A_13 = arith.constant 0 : index
    %get3A_14 = arith.constant 0 : index
    %get3A_15 = vector.load %arg4[%get3A_10, %get3A_11, %get3A_12, %get3A_13, %get3A_14] : memref<2x1x8x256x512xf32, #tpu.memory_space<vmem>>, vector<1x1x1x256x512xf32>
    %get3A_16 = vector.shape_cast %get3A_15 : vector<1x1x1x256x512xf32> to vector<256x512xf32>
    %add3A = arith.addf %get3A_9, %get3A_16 : vector<256x512xf32>
    %get3A_17 = arith.constant 0 : index
    %get3A_18 = arith.constant 0 : index
    %get3A_19 = arith.constant 2 : index
    %get3A_20 = arith.constant 0 : index
    %get3A_21 = arith.constant 0 : index
    %get3A_22 = vector.load %arg4[%get3A_17, %get3A_18, %get3A_19, %get3A_20, %get3A_21] : memref<2x1x8x256x512xf32, #tpu.memory_space<vmem>>, vector<1x1x1x256x512xf32>
    %get3A_23 = vector.shape_cast %get3A_22 : vector<1x1x1x256x512xf32> to vector<256x512xf32>
    %add3A_24 = arith.addf %add3A, %get3A_23 : vector<256x512xf32>
    %get3A_25 = arith.constant 0 : index
    %get3A_26 = arith.constant 0 : index
    %get3A_27 = arith.constant 3 : index
    %get3A_28 = arith.constant 0 : index
    %get3A_29 = arith.constant 0 : index
    %get3A_30 = vector.load %arg4[%get3A_25, %get3A_26, %get3A_27, %get3A_28, %get3A_29] : memref<2x1x8x256x512xf32, #tpu.memory_space<vmem>>, vector<1x1x1x256x512xf32>
    %get3A_31 = vector.shape_cast %get3A_30 : vector<1x1x1x256x512xf32> to vector<256x512xf32>
    %add3A_32 = arith.addf %add3A_24, %get3A_31 : vector<256x512xf32>
    %get3A_33 = arith.constant 0 : index
    %get3A_34 = arith.constant 0 : index
    %get3A_35 = arith.constant 4 : index
    %get3A_36 = arith.constant 0 : index
    %get3A_37 = arith.constant 0 : index
    %get3A_38 = vector.load %arg4[%get3A_33, %get3A_34, %get3A_35, %get3A_36, %get3A_37] : memref<2x1x8x256x512xf32, #tpu.memory_space<vmem>>, vector<1x1x1x256x512xf32>
    %get3A_39 = vector.shape_cast %get3A_38 : vector<1x1x1x256x512xf32> to vector<256x512xf32>
    %add3A_40 = arith.addf %add3A_32, %get3A_39 : vector<256x512xf32>
    %get3A_41 = arith.constant 0 : index
    %get3A_42 = arith.constant 0 : index
    %get3A_43 = arith.constant 5 : index
    %get3A_44 = arith.constant 0 : index
    %get3A_45 = arith.constant 0 : index
    %get3A_46 = vector.load %arg4[%get3A_41, %get3A_42, %get3A_43, %get3A_44, %get3A_45] : memref<2x1x8x256x512xf32, #tpu.memory_space<vmem>>, vector<1x1x1x256x512xf32>
    %get3A_47 = vector.shape_cast %get3A_46 : vector<1x1x1x256x512xf32> to vector<256x512xf32>
    %add3A_48 = arith.addf %add3A_40, %get3A_47 : vector<256x512xf32>
    %get3A_49 = arith.constant 0 : index
    %get3A_50 = arith.constant 0 : index
    %get3A_51 = arith.constant 6 : index
    %get3A_52 = arith.constant 0 : index
    %get3A_53 = arith.constant 0 : index
    %get3A_54 = vector.load %arg4[%get3A_49, %get3A_50, %get3A_51, %get3A_52, %get3A_53] : memref<2x1x8x256x512xf32, #tpu.memory_space<vmem>>, vector<1x1x1x256x512xf32>
    %get3A_55 = vector.shape_cast %get3A_54 : vector<1x1x1x256x512xf32> to vector<256x512xf32>
    %add3A_56 = arith.addf %add3A_48, %get3A_55 : vector<256x512xf32>
    %get3A_57 = arith.constant 0 : index
    %get3A_58 = arith.constant 0 : index
    %get3A_59 = arith.constant 7 : index
    %get3A_60 = arith.constant 0 : index
    %get3A_61 = arith.constant 0 : index
    %get3A_62 = vector.load %arg4[%get3A_57, %get3A_58, %get3A_59, %get3A_60, %get3A_61] : memref<2x1x8x256x512xf32, #tpu.memory_space<vmem>>, vector<1x1x1x256x512xf32>
    %get3A_63 = vector.shape_cast %get3A_62 : vector<1x1x1x256x512xf32> to vector<256x512xf32>
    %add3A_64 = arith.addf %add3A_56, %get3A_63 : vector<256x512xf32>
    %get3A_65 = arith.constant 1 : index
    %get3A_66 = arith.constant 0 : index
    %get3A_67 = arith.constant 0 : index
    %get3A_68 = arith.constant 0 : index
    %get3A_69 = arith.constant 0 : index
    %get3A_70 = vector.load %arg4[%get3A_65, %get3A_66, %get3A_67, %get3A_68, %get3A_69] : memref<2x1x8x256x512xf32, #tpu.memory_space<vmem>>, vector<1x1x1x256x512xf32>
    %get3A_71 = vector.shape_cast %get3A_70 : vector<1x1x1x256x512xf32> to vector<256x512xf32>
    %add3A_72 = arith.addf %add3A_64, %get3A_71 : vector<256x512xf32>
    %get3A_73 = arith.constant 1 : index
    %get3A_74 = arith.constant 0 : index
    %get3A_75 = arith.constant 1 : index
    %get3A_76 = arith.constant 0 : index
    %get3A_77 = arith.constant 0 : index
    %get3A_78 = vector.load %arg4[%get3A_73, %get3A_74, %get3A_75, %get3A_76, %get3A_77] : memref<2x1x8x256x512xf32, #tpu.memory_space<vmem>>, vector<1x1x1x256x512xf32>
    %get3A_79 = vector.shape_cast %get3A_78 : vector<1x1x1x256x512xf32> to vector<256x512xf32>
    %add3A_80 = arith.addf %add3A_72, %get3A_79 : vector<256x512xf32>
    %get3A_81 = arith.constant 1 : index
    %get3A_82 = arith.constant 0 : index
    %get3A_83 = arith.constant 2 : index
    %get3A_84 = arith.constant 0 : index
    %get3A_85 = arith.constant 0 : index
    %get3A_86 = vector.load %arg4[%get3A_81, %get3A_82, %get3A_83, %get3A_84, %get3A_85] : memref<2x1x8x256x512xf32, #tpu.memory_space<vmem>>, vector<1x1x1x256x512xf32>
    %get3A_87 = vector.shape_cast %get3A_86 : vector<1x1x1x256x512xf32> to vector<256x512xf32>
    %add3A_88 = arith.addf %add3A_80, %get3A_87 : vector<256x512xf32>
    %get3A_89 = arith.constant 1 : index
    %get3A_90 = arith.constant 0 : index
    %get3A_91 = arith.constant 3 : index
    %get3A_92 = arith.constant 0 : index
    %get3A_93 = arith.constant 0 : index
    %get3A_94 = vector.load %arg4[%get3A_89, %get3A_90, %get3A_91, %get3A_92, %get3A_93] : memref<2x1x8x256x512xf32, #tpu.memory_space<vmem>>, vector<1x1x1x256x512xf32>
    %get3A_95 = vector.shape_cast %get3A_94 : vector<1x1x1x256x512xf32> to vector<256x512xf32>
    %add3A_96 = arith.addf %add3A_88, %get3A_95 : vector<256x512xf32>
    %get3A_97 = arith.constant 1 : index
    %get3A_98 = arith.constant 0 : index
    %get3A_99 = arith.constant 4 : index
    %get3A_100 = arith.constant 0 : index
    %get3A_101 = arith.constant 0 : index
    %get3A_102 = vector.load %arg4[%get3A_97, %get3A_98, %get3A_99, %get3A_100, %get3A_101] : memref<2x1x8x256x512xf32, #tpu.memory_space<vmem>>, vector<1x1x1x256x512xf32>
    %get3A_103 = vector.shape_cast %get3A_102 : vector<1x1x1x256x512xf32> to vector<256x512xf32>
    %add3A_104 = arith.addf %add3A_96, %get3A_103 : vector<256x512xf32>
    %get3A_105 = arith.constant 1 : index
    %get3A_106 = arith.constant 0 : index
    %get3A_107 = arith.constant 5 : index
    %get3A_108 = arith.constant 0 : index
    %get3A_109 = arith.constant 0 : index
    %get3A_110 = vector.load %arg4[%get3A_105, %get3A_106, %get3A_107, %get3A_108, %get3A_109] : memref<2x1x8x256x512xf32, #tpu.memory_space<vmem>>, vector<1x1x1x256x512xf32>
    %get3A_111 = vector.shape_cast %get3A_110 : vector<1x1x1x256x512xf32> to vector<256x512xf32>
    %add3A_112 = arith.addf %add3A_104, %get3A_111 : vector<256x512xf32>
    %get3A_113 = arith.constant 1 : index
    %get3A_114 = arith.constant 0 : index
    %get3A_115 = arith.constant 6 : index
    %get3A_116 = arith.constant 0 : index
    %get3A_117 = arith.constant 0 : index
    %get3A_118 = vector.load %arg4[%get3A_113, %get3A_114, %get3A_115, %get3A_116, %get3A_117] : memref<2x1x8x256x512xf32, #tpu.memory_space<vmem>>, vector<1x1x1x256x512xf32>
    %get3A_119 = vector.shape_cast %get3A_118 : vector<1x1x1x256x512xf32> to vector<256x512xf32>
    %add3A_120 = arith.addf %add3A_112, %get3A_119 : vector<256x512xf32>
    %get3A_121 = arith.constant 1 : index
    %get3A_122 = arith.constant 0 : index
    %get3A_123 = arith.constant 7 : index
    %get3A_124 = arith.constant 0 : index
    %get3A_125 = arith.constant 0 : index
    %get3A_126 = vector.load %arg4[%get3A_121, %get3A_122, %get3A_123, %get3A_124, %get3A_125] : memref<2x1x8x256x512xf32, #tpu.memory_space<vmem>>, vector<1x1x1x256x512xf32>
    %get3A_127 = vector.shape_cast %get3A_126 : vector<1x1x1x256x512xf32> to vector<256x512xf32>
    %add3A_128 = arith.addf %add3A_120, %get3A_127 : vector<256x512xf32>
    %mul3A = arith.constant 6.250000e-02 : f32
    %mul3A_129 = vector.broadcast %mul3A : f32 to vector<256x512xf32>
    %mul3A_130 = arith.mulf %add3A_128, %mul3A_129 : vector<256x512xf32>
    %add3A_131 = arith.constant 9.99999993E-9 : f32
    %add3A_132 = vector.broadcast %add3A_131 : f32 to vector<256x512xf32>
    %add3A_133 = arith.addf %mul3A_130, %add3A_132 : vector<256x512xf32>
    %log3A = math.log %add3A_133 : vector<256x512xf32>
    %iota3A = tpu.iota {dimensions = array<i32: 1>} : vector<256x512xi32>
    %broadcast_in_dim3A = arith.constant 0.000000e+00 : f32
    %broadcast_in_dim3A_134 = vector.broadcast %broadcast_in_dim3A : f32 to vector<256x512xf32>
    %get3A_135 = arith.constant 0 : index
    %get3A_136 = arith.constant 0 : index
    %get3A_137 = arith.constant 0 : index
    %get3A_138 = vector.load %arg2[%get3A_135, %get3A_136, %get3A_137] : memref<1x256x16xi32, #tpu.memory_space<vmem>>, vector<1x256x1xi32>
    %get3A_139 = vector.shape_cast %get3A_138 : vector<1x256x1xi32> to vector<256x1xi32>
    %eq3A_140 = vector.broadcast %get3A_139 : vector<256x1xi32> to vector<256x512xi32>
    %eq3A_141 = arith.cmpi eq, %eq3A_140, %iota3A : vector<256x512xi32>
    %jit3A = arith.constant 1.000000e+00 : f32
    %jit3A_142 = arith.constant 0.000000e+00 : f32
    %broadcast_in_dim3A_143 = vector.broadcast %jit3A : f32 to vector<256x512xf32>
    %broadcast_in_dim3A_144 = vector.broadcast %jit3A_142 : f32 to vector<256x512xf32>
    %select_n3A = arith.select %eq3A_141, %broadcast_in_dim3A_143, %broadcast_in_dim3A_144 : vector<256x512xi1>, vector<256x512xf32>
    %add3A_145 = arith.addf %broadcast_in_dim3A_134, %select_n3A : vector<256x512xf32>
    %get3A_146 = arith.constant 0 : index
    %get3A_147 = arith.constant 0 : index
    %get3A_148 = arith.constant 1 : index
    %get3A_149 = vector.load %arg2[%get3A_146, %get3A_147, %get3A_148] : memref<1x256x16xi32, #tpu.memory_space<vmem>>, vector<1x256x1xi32>
    %get3A_150 = vector.shape_cast %get3A_149 : vector<1x256x1xi32> to vector<256x1xi32>
    %eq3A_151 = vector.broadcast %get3A_150 : vector<256x1xi32> to vector<256x512xi32>
    %eq3A_152 = arith.cmpi eq, %eq3A_151, %iota3A : vector<256x512xi32>
    %jit3A_153 = arith.constant 1.000000e+00 : f32
    %jit3A_154 = arith.constant 0.000000e+00 : f32
    %broadcast_in_dim3A_155 = vector.broadcast %jit3A_153 : f32 to vector<256x512xf32>
    %broadcast_in_dim3A_156 = vector.broadcast %jit3A_154 : f32 to vector<256x512xf32>
    %select_n3A_157 = arith.select %eq3A_152, %broadcast_in_dim3A_155, %broadcast_in_dim3A_156 : vector<256x512xi1>, vector<256x512xf32>
    %add3A_158 = arith.addf %add3A_145, %select_n3A_157 : vector<256x512xf32>
    %get3A_159 = arith.constant 0 : index
    %get3A_160 = arith.constant 0 : index
    %get3A_161 = arith.constant 2 : index
    %get3A_162 = vector.load %arg2[%get3A_159, %get3A_160, %get3A_161] : memref<1x256x16xi32, #tpu.memory_space<vmem>>, vector<1x256x1xi32>
    %get3A_163 = vector.shape_cast %get3A_162 : vector<1x256x1xi32> to vector<256x1xi32>
    %eq3A_164 = vector.broadcast %get3A_163 : vector<256x1xi32> to vector<256x512xi32>
    %eq3A_165 = arith.cmpi eq, %eq3A_164, %iota3A : vector<256x512xi32>
    %jit3A_166 = arith.constant 1.000000e+00 : f32
    %jit3A_167 = arith.constant 0.000000e+00 : f32
    %broadcast_in_dim3A_168 = vector.broadcast %jit3A_166 : f32 to vector<256x512xf32>
    %broadcast_in_dim3A_169 = vector.broadcast %jit3A_167 : f32 to vector<256x512xf32>
    %select_n3A_170 = arith.select %eq3A_165, %broadcast_in_dim3A_168, %broadcast_in_dim3A_169 : vector<256x512xi1>, vector<256x512xf32>
    %add3A_171 = arith.addf %add3A_158, %select_n3A_170 : vector<256x512xf32>
    %get3A_172 = arith.constant 0 : index
    %get3A_173 = arith.constant 0 : index
    %get3A_174 = arith.constant 3 : index
    %get3A_175 = vector.load %arg2[%get3A_172, %get3A_173, %get3A_174] : memref<1x256x16xi32, #tpu.memory_space<vmem>>, vector<1x256x1xi32>
    %get3A_176 = vector.shape_cast %get3A_175 : vector<1x256x1xi32> to vector<256x1xi32>
    %eq3A_177 = vector.broadcast %get3A_176 : vector<256x1xi32> to vector<256x512xi32>
    %eq3A_178 = arith.cmpi eq, %eq3A_177, %iota3A : vector<256x512xi32>
    %jit3A_179 = arith.constant 1.000000e+00 : f32
    %jit3A_180 = arith.constant 0.000000e+00 : f32
    %broadcast_in_dim3A_181 = vector.broadcast %jit3A_179 : f32 to vector<256x512xf32>
    %broadcast_in_dim3A_182 = vector.broadcast %jit3A_180 : f32 to vector<256x512xf32>
    %select_n3A_183 = arith.select %eq3A_178, %broadcast_in_dim3A_181, %broadcast_in_dim3A_182 : vector<256x512xi1>, vector<256x512xf32>
    %add3A_184 = arith.addf %add3A_171, %select_n3A_183 : vector<256x512xf32>
    %get3A_185 = arith.constant 0 : index
    %get3A_186 = arith.constant 0 : index
    %get3A_187 = arith.constant 4 : index
    %get3A_188 = vector.load %arg2[%get3A_185, %get3A_186, %get3A_187] : memref<1x256x16xi32, #tpu.memory_space<vmem>>, vector<1x256x1xi32>
    %get3A_189 = vector.shape_cast %get3A_188 : vector<1x256x1xi32> to vector<256x1xi32>
    %eq3A_190 = vector.broadcast %get3A_189 : vector<256x1xi32> to vector<256x512xi32>
    %eq3A_191 = arith.cmpi eq, %eq3A_190, %iota3A : vector<256x512xi32>
    %jit3A_192 = arith.constant 1.000000e+00 : f32
    %jit3A_193 = arith.constant 0.000000e+00 : f32
    %broadcast_in_dim3A_194 = vector.broadcast %jit3A_192 : f32 to vector<256x512xf32>
    %broadcast_in_dim3A_195 = vector.broadcast %jit3A_193 : f32 to vector<256x512xf32>
    %select_n3A_196 = arith.select %eq3A_191, %broadcast_in_dim3A_194, %broadcast_in_dim3A_195 : vector<256x512xi1>, vector<256x512xf32>
    %add3A_197 = arith.addf %add3A_184, %select_n3A_196 : vector<256x512xf32>
    %get3A_198 = arith.constant 0 : index
    %get3A_199 = arith.constant 0 : index
    %get3A_200 = arith.constant 5 : index
    %get3A_201 = vector.load %arg2[%get3A_198, %get3A_199, %get3A_200] : memref<1x256x16xi32, #tpu.memory_space<vmem>>, vector<1x256x1xi32>
    %get3A_202 = vector.shape_cast %get3A_201 : vector<1x256x1xi32> to vector<256x1xi32>
    %eq3A_203 = vector.broadcast %get3A_202 : vector<256x1xi32> to vector<256x512xi32>
    %eq3A_204 = arith.cmpi eq, %eq3A_203, %iota3A : vector<256x512xi32>
    %jit3A_205 = arith.constant 1.000000e+00 : f32
    %jit3A_206 = arith.constant 0.000000e+00 : f32
    %broadcast_in_dim3A_207 = vector.broadcast %jit3A_205 : f32 to vector<256x512xf32>
    %broadcast_in_dim3A_208 = vector.broadcast %jit3A_206 : f32 to vector<256x512xf32>
    %select_n3A_209 = arith.select %eq3A_204, %broadcast_in_dim3A_207, %broadcast_in_dim3A_208 : vector<256x512xi1>, vector<256x512xf32>
    %add3A_210 = arith.addf %add3A_197, %select_n3A_209 : vector<256x512xf32>
    %get3A_211 = arith.constant 0 : index
    %get3A_212 = arith.constant 0 : index
    %get3A_213 = arith.constant 6 : index
    %get3A_214 = vector.load %arg2[%get3A_211, %get3A_212, %get3A_213] : memref<1x256x16xi32, #tpu.memory_space<vmem>>, vector<1x256x1xi32>
    %get3A_215 = vector.shape_cast %get3A_214 : vector<1x256x1xi32> to vector<256x1xi32>
    %eq3A_216 = vector.broadcast %get3A_215 : vector<256x1xi32> to vector<256x512xi32>
    %eq3A_217 = arith.cmpi eq, %eq3A_216, %iota3A : vector<256x512xi32>
    %jit3A_218 = arith.constant 1.000000e+00 : f32
    %jit3A_219 = arith.constant 0.000000e+00 : f32
    %broadcast_in_dim3A_220 = vector.broadcast %jit3A_218 : f32 to vector<256x512xf32>
    %broadcast_in_dim3A_221 = vector.broadcast %jit3A_219 : f32 to vector<256x512xf32>
    %select_n3A_222 = arith.select %eq3A_217, %broadcast_in_dim3A_220, %broadcast_in_dim3A_221 : vector<256x512xi1>, vector<256x512xf32>
    %add3A_223 = arith.addf %add3A_210, %select_n3A_222 : vector<256x512xf32>
    %get3A_224 = arith.constant 0 : index
    %get3A_225 = arith.constant 0 : index
    %get3A_226 = arith.constant 7 : index
    %get3A_227 = vector.load %arg2[%get3A_224, %get3A_225, %get3A_226] : memref<1x256x16xi32, #tpu.memory_space<vmem>>, vector<1x256x1xi32>
    %get3A_228 = vector.shape_cast %get3A_227 : vector<1x256x1xi32> to vector<256x1xi32>
    %eq3A_229 = vector.broadcast %get3A_228 : vector<256x1xi32> to vector<256x512xi32>
    %eq3A_230 = arith.cmpi eq, %eq3A_229, %iota3A : vector<256x512xi32>
    %jit3A_231 = arith.constant 1.000000e+00 : f32
    %jit3A_232 = arith.constant 0.000000e+00 : f32
    %broadcast_in_dim3A_233 = vector.broadcast %jit3A_231 : f32 to vector<256x512xf32>
    %broadcast_in_dim3A_234 = vector.broadcast %jit3A_232 : f32 to vector<256x512xf32>
    %select_n3A_235 = arith.select %eq3A_230, %broadcast_in_dim3A_233, %broadcast_in_dim3A_234 : vector<256x512xi1>, vector<256x512xf32>
    %add3A_236 = arith.addf %add3A_223, %select_n3A_235 : vector<256x512xf32>
    %get3A_237 = arith.constant 0 : index
    %get3A_238 = arith.constant 0 : index
    %get3A_239 = arith.constant 8 : index
    %get3A_240 = vector.load %arg2[%get3A_237, %get3A_238, %get3A_239] : memref<1x256x16xi32, #tpu.memory_space<vmem>>, vector<1x256x1xi32>
    %get3A_241 = vector.shape_cast %get3A_240 : vector<1x256x1xi32> to vector<256x1xi32>
    %eq3A_242 = vector.broadcast %get3A_241 : vector<256x1xi32> to vector<256x512xi32>
    %eq3A_243 = arith.cmpi eq, %eq3A_242, %iota3A : vector<256x512xi32>
    %jit3A_244 = arith.constant 1.000000e+00 : f32
    %jit3A_245 = arith.constant 0.000000e+00 : f32
    %broadcast_in_dim3A_246 = vector.broadcast %jit3A_244 : f32 to vector<256x512xf32>
    %broadcast_in_dim3A_247 = vector.broadcast %jit3A_245 : f32 to vector<256x512xf32>
    %select_n3A_248 = arith.select %eq3A_243, %broadcast_in_dim3A_246, %broadcast_in_dim3A_247 : vector<256x512xi1>, vector<256x512xf32>
    %add3A_249 = arith.addf %add3A_236, %select_n3A_248 : vector<256x512xf32>
    %get3A_250 = arith.constant 0 : index
    %get3A_251 = arith.constant 0 : index
    %get3A_252 = arith.constant 9 : index
    %get3A_253 = vector.load %arg2[%get3A_250, %get3A_251, %get3A_252] : memref<1x256x16xi32, #tpu.memory_space<vmem>>, vector<1x256x1xi32>
    %get3A_254 = vector.shape_cast %get3A_253 : vector<1x256x1xi32> to vector<256x1xi32>
    %eq3A_255 = vector.broadcast %get3A_254 : vector<256x1xi32> to vector<256x512xi32>
    %eq3A_256 = arith.cmpi eq, %eq3A_255, %iota3A : vector<256x512xi32>
    %jit3A_257 = arith.constant 1.000000e+00 : f32
    %jit3A_258 = arith.constant 0.000000e+00 : f32
    %broadcast_in_dim3A_259 = vector.broadcast %jit3A_257 : f32 to vector<256x512xf32>
    %broadcast_in_dim3A_260 = vector.broadcast %jit3A_258 : f32 to vector<256x512xf32>
    %select_n3A_261 = arith.select %eq3A_256, %broadcast_in_dim3A_259, %broadcast_in_dim3A_260 : vector<256x512xi1>, vector<256x512xf32>
    %add3A_262 = arith.addf %add3A_249, %select_n3A_261 : vector<256x512xf32>
    %get3A_263 = arith.constant 0 : index
    %get3A_264 = arith.constant 0 : index
    %get3A_265 = arith.constant 10 : index
    %get3A_266 = vector.load %arg2[%get3A_263, %get3A_264, %get3A_265] : memref<1x256x16xi32, #tpu.memory_space<vmem>>, vector<1x256x1xi32>
    %get3A_267 = vector.shape_cast %get3A_266 : vector<1x256x1xi32> to vector<256x1xi32>
    %eq3A_268 = vector.broadcast %get3A_267 : vector<256x1xi32> to vector<256x512xi32>
    %eq3A_269 = arith.cmpi eq, %eq3A_268, %iota3A : vector<256x512xi32>
    %jit3A_270 = arith.constant 1.000000e+00 : f32
    %jit3A_271 = arith.constant 0.000000e+00 : f32
    %broadcast_in_dim3A_272 = vector.broadcast %jit3A_270 : f32 to vector<256x512xf32>
    %broadcast_in_dim3A_273 = vector.broadcast %jit3A_271 : f32 to vector<256x512xf32>
    %select_n3A_274 = arith.select %eq3A_269, %broadcast_in_dim3A_272, %broadcast_in_dim3A_273 : vector<256x512xi1>, vector<256x512xf32>
    %add3A_275 = arith.addf %add3A_262, %select_n3A_274 : vector<256x512xf32>
    %get3A_276 = arith.constant 0 : index
    %get3A_277 = arith.constant 0 : index
    %get3A_278 = arith.constant 11 : index
    %get3A_279 = vector.load %arg2[%get3A_276, %get3A_277, %get3A_278] : memref<1x256x16xi32, #tpu.memory_space<vmem>>, vector<1x256x1xi32>
    %get3A_280 = vector.shape_cast %get3A_279 : vector<1x256x1xi32> to vector<256x1xi32>
    %eq3A_281 = vector.broadcast %get3A_280 : vector<256x1xi32> to vector<256x512xi32>
    %eq3A_282 = arith.cmpi eq, %eq3A_281, %iota3A : vector<256x512xi32>
    %jit3A_283 = arith.constant 1.000000e+00 : f32
    %jit3A_284 = arith.constant 0.000000e+00 : f32
    %broadcast_in_dim3A_285 = vector.broadcast %jit3A_283 : f32 to vector<256x512xf32>
    %broadcast_in_dim3A_286 = vector.broadcast %jit3A_284 : f32 to vector<256x512xf32>
    %select_n3A_287 = arith.select %eq3A_282, %broadcast_in_dim3A_285, %broadcast_in_dim3A_286 : vector<256x512xi1>, vector<256x512xf32>
    %add3A_288 = arith.addf %add3A_275, %select_n3A_287 : vector<256x512xf32>
    %get3A_289 = arith.constant 0 : index
    %get3A_290 = arith.constant 0 : index
    %get3A_291 = arith.constant 12 : index
    %get3A_292 = vector.load %arg2[%get3A_289, %get3A_290, %get3A_291] : memref<1x256x16xi32, #tpu.memory_space<vmem>>, vector<1x256x1xi32>
    %get3A_293 = vector.shape_cast %get3A_292 : vector<1x256x1xi32> to vector<256x1xi32>
    %eq3A_294 = vector.broadcast %get3A_293 : vector<256x1xi32> to vector<256x512xi32>
    %eq3A_295 = arith.cmpi eq, %eq3A_294, %iota3A : vector<256x512xi32>
    %jit3A_296 = arith.constant 1.000000e+00 : f32
    %jit3A_297 = arith.constant 0.000000e+00 : f32
    %broadcast_in_dim3A_298 = vector.broadcast %jit3A_296 : f32 to vector<256x512xf32>
    %broadcast_in_dim3A_299 = vector.broadcast %jit3A_297 : f32 to vector<256x512xf32>
    %select_n3A_300 = arith.select %eq3A_295, %broadcast_in_dim3A_298, %broadcast_in_dim3A_299 : vector<256x512xi1>, vector<256x512xf32>
    %add3A_301 = arith.addf %add3A_288, %select_n3A_300 : vector<256x512xf32>
    %get3A_302 = arith.constant 0 : index
    %get3A_303 = arith.constant 0 : index
    %get3A_304 = arith.constant 13 : index
    %get3A_305 = vector.load %arg2[%get3A_302, %get3A_303, %get3A_304] : memref<1x256x16xi32, #tpu.memory_space<vmem>>, vector<1x256x1xi32>
    %get3A_306 = vector.shape_cast %get3A_305 : vector<1x256x1xi32> to vector<256x1xi32>
    %eq3A_307 = vector.broadcast %get3A_306 : vector<256x1xi32> to vector<256x512xi32>
    %eq3A_308 = arith.cmpi eq, %eq3A_307, %iota3A : vector<256x512xi32>
    %jit3A_309 = arith.constant 1.000000e+00 : f32
    %jit3A_310 = arith.constant 0.000000e+00 : f32
    %broadcast_in_dim3A_311 = vector.broadcast %jit3A_309 : f32 to vector<256x512xf32>
    %broadcast_in_dim3A_312 = vector.broadcast %jit3A_310 : f32 to vector<256x512xf32>
    %select_n3A_313 = arith.select %eq3A_308, %broadcast_in_dim3A_311, %broadcast_in_dim3A_312 : vector<256x512xi1>, vector<256x512xf32>
    %add3A_314 = arith.addf %add3A_301, %select_n3A_313 : vector<256x512xf32>
    %get3A_315 = arith.constant 0 : index
    %get3A_316 = arith.constant 0 : index
    %get3A_317 = arith.constant 14 : index
    %get3A_318 = vector.load %arg2[%get3A_315, %get3A_316, %get3A_317] : memref<1x256x16xi32, #tpu.memory_space<vmem>>, vector<1x256x1xi32>
    %get3A_319 = vector.shape_cast %get3A_318 : vector<1x256x1xi32> to vector<256x1xi32>
    %eq3A_320 = vector.broadcast %get3A_319 : vector<256x1xi32> to vector<256x512xi32>
    %eq3A_321 = arith.cmpi eq, %eq3A_320, %iota3A : vector<256x512xi32>
    %jit3A_322 = arith.constant 1.000000e+00 : f32
    %jit3A_323 = arith.constant 0.000000e+00 : f32
    %broadcast_in_dim3A_324 = vector.broadcast %jit3A_322 : f32 to vector<256x512xf32>
    %broadcast_in_dim3A_325 = vector.broadcast %jit3A_323 : f32 to vector<256x512xf32>
    %select_n3A_326 = arith.select %eq3A_321, %broadcast_in_dim3A_324, %broadcast_in_dim3A_325 : vector<256x512xi1>, vector<256x512xf32>
    %add3A_327 = arith.addf %add3A_314, %select_n3A_326 : vector<256x512xf32>
    %get3A_328 = arith.constant 0 : index
    %get3A_329 = arith.constant 0 : index
    %get3A_330 = vector.load %arg5[%get3A_328, %get3A_329] : memref<1x1xf32, #tpu.memory_space<vmem>>, vector<1x1xf32>
    %mul3A_331 = arith.mulf %add3A_327, %log3A : vector<256x512xf32>
    %reduce_sum3A = vector.shape_cast %mul3A_331 : vector<256x512xf32> to vector<1x256x512xf32>
    %reduce_sum3A_332 = arith.constant dense<0.000000e+00> : vector<1xf32>
    %reduce_sum3A_333 = vector.multi_reduction <add>, %reduce_sum3A, %reduce_sum3A_332 [1, 2] : vector<1x256x512xf32> to vector<1xf32>
    %reduce_sum3A_334 = vector.shape_cast %reduce_sum3A_333 : vector<1xf32> to vector<1x1x1xf32>
    %reduce_sum3A_335 = vector.extract %reduce_sum3A_334[0, 0, 0] : f32 from vector<1x1x1xf32>
    %add3A_336 = vector.broadcast %reduce_sum3A_335 : f32 to vector<1x1xf32>
    %add3A_337 = arith.addf %get3A_330, %add3A_336 : vector<1x1xf32>
    %swap3A = arith.constant 0 : index
    %swap3A_338 = arith.constant 0 : index
    %swap3A_339 = vector.load %arg5[%swap3A, %swap3A_338] : memref<1x1xf32, #tpu.memory_space<vmem>>, vector<1x1xf32>
    tpu.vector_store %arg5[%swap3A, %swap3A_338], %add3A_337 {strides = array<i32>} : memref<1x1xf32, #tpu.memory_space<vmem>>, vector<1x1xf32>,
    %eq3A_340 = arith.constant 7 : i32
    %eq3A_341 = arith.cmpi eq, %arg0, %eq3A_340 : i32
    %eq3A_342 = arith.constant 1 : i32
    %eq3A_343 = arith.cmpi eq, %arg1, %eq3A_342 : i32
    %and3A_344 = arith.andi %eq3A_341, %eq3A_343 : i1
    %convert_element_type3A_345 = arith.extui %and3A_344 : i1 to i32
    %cond3A_346 = arith.constant 0 : i32
    %cond3A_347 = arith.cmpi ne, %convert_element_type3A_345, %cond3A_346 : i32
    scf.if %cond3A_347 {
      %get3A_348 = arith.constant 0 : index
      %get3A_349 = arith.constant 0 : index
      %get3A_350 = vector.load %arg5[%get3A_348, %get3A_349] : memref<1x1xf32, #tpu.memory_space<vmem>>, vector<1x1xf32>
      %neg3A = arith.constant 0.000000e+00 : f32
      %neg3A_351 = vector.broadcast %neg3A : f32 to vector<1x1xf32>
      %neg3A_352 = arith.subf %neg3A_351, %get3A_350 : vector<1x1xf32>
      %get3A_353 = arith.constant 0 : index
      %get3A_354 = arith.constant 0 : index
      %get3A_355 = vector.load %arg3[%get3A_353, %get3A_354] : memref<1x16xi32, #tpu.memory_space<vmem>>, vector<1x1xi32>
      %get3A_356 = vector.extract %get3A_355[0, 0] : i32 from vector<1x1xi32>
      %convert_element_type3A_357 = arith.sitofp %get3A_356 : i32 to f32
      %div3A = vector.broadcast %convert_element_type3A_357 : f32 to vector<1x1xf32>
      %div3A_358 = arith.divf %neg3A_352, %div3A : vector<1x1xf32>
      %swap3A_359 = arith.constant 0 : index
      %swap3A_360 = arith.constant 0 : index
      %swap3A_361 = vector.load %arg5[%swap3A_359, %swap3A_360] : memref<1x1xf32, #tpu.memory_space<vmem>>, vector<1x1xf32>
      tpu.vector_store %arg5[%swap3A_359, %swap3A_360], %div3A_358 {strides = array<i32>} : memref<1x1xf32, #tpu.memory_space<vmem>>, vector<1x1xf32>,
    } else {
    }
    return
  }
  func.func @transform_0(%arg0: i32, %arg1: i32) -> (i32, i32, i32) {
    %c0_i32 = arith.constant 0 : i32
    %c0_i32_0 = arith.constant 0 : i32
    return %arg0, %arg1, %c0_i32 : i32, i32, i32
  }
  func.func @transform_1(%arg0: i32, %arg1: i32) -> (i32, i32) {
    %c0_i32 = arith.constant 0 : i32
    %c0_i32_0 = arith.constant 0 : i32
    %c0_i32_1 = arith.constant 0 : i32
    return %c0_i32, %c0_i32_0 : i32, i32
  }
  func.func @transform_2(%arg0: i32, %arg1: i32) -> (i32, i32, i32, i32, i32) {
    %c0_i32 = arith.constant 0 : i32
    %c0_i32_0 = arith.constant 0 : i32
    %c0_i32_1 = arith.constant 0 : i32
    %c0_i32_2 = arith.constant 0 : i32
    return %c0_i32, %arg0, %c0_i32_0, %arg1, %c0_i32_1 : i32, i32, i32, i32, i32
  }
  func.func @transform_3(%arg0: i32, %arg1: i32) -> (i32, i32) {
    %c0_i32 = arith.constant 0 : i32
    %c0_i32_0 = arith.constant 0 : i32
    %c0_i32_1 = arith.constant 0 : i32
    return %c0_i32, %c0_i32_0 : i32, i32
  }
}

</mosaic_0001>

<sc_bundles>
// kernel: kernel.4.cloned.1.call-start
scs
__scs_entry_jumppad:
0x0: {  	(pc) =	sbr.rel $0x88, $3  }
0x1: {  	(tag) =	ssettag $0x0;
	lr =	simm.s32 $0x1  }
0x2: {  	[smem:$0x3F9E] =	sst lr;
	_ =	strace $0xD0000000  }
0x3: {  	_ = 	snop  }
0x4: {  	_ = 	snop  }
0x5: {  	_ = 	snop  }
0x6: {  	_ = 	snop  }
0x7: {  	_ = 	snop  }
__scs_overlays_trampoline_lowered:
0x8: {  	[smem:$0x3FAD] =	sst s0  }
0x9: {  	[smem:$0x3FAE] =	sst s1  }
0xa: {  	[smem:$0x3FAF] =	sst s2  }
0xb: {  	[smem:$0x3FB0] =	sst s3  }
0xc: {  	[smem:$0x3FB1] =	sst s4  }
0xd: {  	[smem:$0x3FB2] =	sst s5  }
0xe: {  	[smem:$0x3FB3] =	sst s6  }
0xf: {  	[smem:$0x3FB4] =	sst s7  }
0x10: {  	[smem:$0x3FB5] =	sst s8  }
0x11: {  	[smem:$0x3FB6] =	sst s9;
	s0 =	simm.s32 @!p0 $0x0  }
0x12: {  	s1 =	sld [smem:$0x3F9C];
	s0 =	simm.s32 @p0 $0x1  }
0x13: {  	[smem:$0x3FB7] =	sst s0;
	s0 =	simm.s32 @!p1 $0x0  }
0x14: {  	s2 =	sld [smem:$0x3F9B];
	s0 =	simm.s32 @p1 $0x1  }
0x15: {  	[smem:$0x3FB8] =	sst s0;
	s0 =	simm.s32 @!p2 $0x0  }
0x16: {  	s3 =	sld [smem:$0x3FDB];
	s0 =	simm.s32 @p2 $0x1  }
0x17: {  	s4 =	simm.s32 $0x1BF5;
	[smem:$0x3FBA] =	sst s0  }
0x18: {  	s0 =	sld [smem:$0x3F9D];
	_ =	swait.ge [sflag:s4], $0x0  }
0x19: {  	s7 =	sld [smem:$0x3F9E]  }
0x1a: {  	s8 =	sadd.s32 $0xFFFFE003, lr  }
0x1b: {  	s9 =	sadd.s32 $0xFFFFFEF7, lr;
	s5 =	simm.s32 $0xFFFFFFFF;
	p2 =	slt.u32 s8, $0xFFFFF086  }
0x1c: {  	p1 =	slt.u32 s9, $0xF7A;
	s5 =	simm.s32 @!p2 $0x0  }
0x1d: {  	s5 =	simm.s32 @p1 $0x1;
	p0 =	seq.s32 s7, s2  }
0x1e: {  	s7 =	smul.u32 @!p0 $0xF7A, s2;
	p2 =	seq.s32 @!p0 s5, $0x0  }
0x1f: {  	s9 =	smul.u32 $0xF7A, s1;
	s8 =	simm.s32 @!p0 $0x1BF5;
	p2 =	por !p2, p0  }
0x20: {  	[sflag:s8] =	ssyncset.s32 @!p0 $0xFFFFF086;
	s6 =	sadd.s32 @!p0 s3, s7;
	s7 =	simm.s32 @!p0 $0x108  }
0x21: {  	s3 =	sadd.s32 s3, s9;
	s6 =	sadd.s32 @!p0 $0x88, s6;
	s7 =	simm.s32 @p2 $0x1082  }
0x22: {  	[simem:s7], [sflag:s8] =	dma.local @!p0 [hbm:s6], $0xF7A  }
0x23: {  	s9 =	sor.u32 $0xD0000000, s2;
	s6 =	simm.s32 $0x108;
	_ =	swait.ge @!p0 [sflag:s8], $0x0  }
0x24: {  	s3 =	sadd.s32 $0x88, s3;
	s6 =	simm.s32 @!p1 $0x1082;
	[sflag:s4] =	ssyncset.s32 $0xFFFFF086  }
0x25: {  	[simem:s6], [sflag:s4] =	dma.local [hbm:s3], $0xF7A  }
0x26: {  	[smem:$0x3F9E] =	sst s1;
	(tag) =	ssettag s2;
	_ =	strace s9  }
0x27: {  	s1 =	sld [smem:$0x3FAE]  }
0x28: {  	s2 =	sld [smem:$0x3FAF]  }
0x29: {  	s4 =	sld [smem:$0x3FB1]  }
0x2a: {  	p0 =	seq.s32 s5, $0x0;
	s5 =	sld [smem:$0x3FB2]  }
0x2b: {  	s6 =	sld [smem:$0x3FB3]  }
0x2c: {  	s7 =	sld [smem:$0x3FB4]  }
0x2d: {  	s3 =	simm.s32 $0x108;
	s8 =	sld [smem:$0x3FB5]  }
0x2e: {  	s3 =	simm.s32 @!p0 $0x1082;
	s9 =	sld [smem:$0x3FB6]  }
0x2f: {  	lr =	sadd.s32 s0, s3;
	s0 =	sld [smem:$0x3FAD]  }
0x30: {  	s3 =	sld [smem:$0x3FB0]  }
0x31: {  	[smem:$0x3FB9] =	sst s10  }
0x32: {  	s10 =	sld [smem:$0x3FB7];
	_ =	sdelay $0x3  }
0x33: {  	p0 =	seq.s32 s10, $0x1;
	s10 =	sld [smem:$0x3FB9];
	_ =	sdelay $0x3  }
0x34: {  	[smem:$0x3FB9] =	sst s10  }
0x35: {  	s10 =	sld [smem:$0x3FB8];
	_ =	sdelay $0x3  }
0x36: {  	p1 =	seq.s32 s10, $0x1;
	s10 =	sld [smem:$0x3FB9];
	_ =	sdelay $0x3  }
0x37: {  	[smem:$0x3FB9] =	sst s10  }
0x38: {  	s10 =	sld [smem:$0x3FBA]  }
0x39: {  	_ = 	snop;
	(pc) =	sbr.ind lr, $3  }
0x3a: {  	_ = 	snop  }
0x3b: {  	_ = 	snop  }
0x3c: {  	p2 =	seq.s32 s10, $0x1;
	s10 =	sld [smem:$0x3FB9]  }
0x3d: {  	_ =	shalt  }
0x3e: {  	_ =	shalt  }
0x3f: {  	_ =	shalt  }
0x40: {  	_ =	shalt  }
0x41: {  	_ =	shalt  }
0x42: {  	_ =	shalt  }
0x43: {  	_ =	shalt  }
0x44: {  	_ =	shalt  }
0x45: {  	_ =	shalt  }
0x46: {  	_ =	shalt  }
0x47: {  	_ =	shalt  }
0x48: {  	_ =	shalt  }
0x49: {  	_ =	shalt  }
0x4a: {  	_ =	shalt  }
0x4b: {  	_ =	shalt  }
0x4c: {  	_ =	shalt  }
0x4d: {  	_ =	shalt  }
0x4e: {  	_ =	shalt  }
0x4f: {  	_ =	shalt  }
0x50: {  	_ =	shalt  }
0x51: {  	_ =	shalt  }
0x52: {  	_ =	shalt  }
0x53: {  	_ =	shalt  }
0x54: {  	_ =	shalt  }
0x55: {  	_ =	shalt  }
0x56: {  	_ =	shalt  }
0x57: {  	_ =	shalt  }
0x58: {  	_ =	shalt  }
0x59: {  	_ =	shalt  }
0x5a: {  	_ =	shalt  }
0x5b: {  	_ =	shalt  }
0x5c: {  	_ =	shalt  }
0x5d: {  	_ =	shalt  }
0x5e: {  	_ =	shalt  }
0x5f: {  	_ =	shalt  }
0x60: {  	_ =	shalt  }
0x61: {  	_ =	shalt  }
0x62: {  	_ =	shalt  }
0x63: {  	_ =	shalt  }
0x64: {  	_ =	shalt  }
0x65: {  	_ =	shalt  }
0x66: {  	_ =	shalt  }
0x67: {  	_ =	shalt  }
0x68: {  	_ =	shalt  }
0x69: {  	_ =	shalt  }
0x6a: {  	_ =	shalt  }
0x6b: {  	_ =	shalt  }
0x6c: {  	_ =	shalt  }
0x6d: {  	_ =	shalt  }
0x6e: {  	_ =	shalt  }
0x6f: {  	_ =	shalt  }
0x70: {  	_ =	shalt  }
0x71: {  	_ =	shalt  }
0x72: {  	_ =	shalt  }
0x73: {  	_ =	shalt  }
0x74: {  	_ =	shalt  }
0x75: {  	_ =	shalt  }
0x76: {  	_ =	shalt  }
0x77: {  	_ =	shalt  }
0x78: {  	_ =	shalt  }
0x79: {  	_ =	shalt  }
0x7a: {  	_ =	shalt  }
0x7b: {  	_ =	shalt  }
0x7c: {  	_ =	shalt  }
0x7d: {  	_ =	shalt  }
0x7e: {  	_ =	shalt  }
0x7f: {  	_ =	shalt  }
0x80: {  	_ =	shalt  }
0x81: {  	_ =	shalt  }
0x82: {  	_ =	shalt  }
0x83: {  	_ =	shalt  }
0x84: {  	_ =	shalt  }
0x85: {  	_ =	shalt  }
0x86: {  	_ =	shalt  }
0x87: {  	_ =	shalt  }
.Lfunc_end0:
.L_simem_size_0:
called_computation_lowered:
.L_overlay_start_0:
0x88: {  	s2 =	sld [smem:$0x3FD9]  }
0x89: {  	s3 =	sld [smem:$0x3FFE];
	_ =	sdelay $0x1  }
0x8a: {  	s1 =	srdreg.scid  }
0x8b: {  	s0 =	sand.u32 $0x1, s1  }
0x8c: {  	s17 =	sshll.u32 s0, $0xA;
	s2 =	sadd.s32 s3, s2  }
0x8d: {  	s2 =	sadd.s32 s2, s17  }
0x8e: {  	[smem:$0x3FC5] =	sst s2  }
0x8f: {  	_ = 	snop  }
0x90: {  	s2 =	sld [smem:$0x3FC8]  }
0x91: {  	s18 =	sld [smem:$0x3FC7]  }
0x92: {  	s4 =	sld [smem:$0x3FD0];
	(tm) =	ssettm $0x1  }
0x93: {  	s5 =	sld [smem:$0x3FFB];
	_ =	sdelay $0x3  }
0x94: {  	_ =	strace s5  }
0x95: {  	s5 =	sld [smem:$0x3FFC];
	_ =	sdelay $0x3  }
0x96: {  	_ =	strace s5  }
0x97: {  	s5 =	sld [smem:$0x3FFD];
	_ =	sdelay $0x3  }
0x98: {  	_ =	strace s5  }
0x99: {  	_ =	strace $0x8FFFFFFF  }
0x9a: {  	s19 =	sld [smem:$0x3FDB];
	_ =	sdelay $0x1  }
0x9b: {  	s6 =	simm.s32 $_scs_section_size  }
0x9c: {  	s7 =	simm.s32 $_size__tile_overlayer_lowered;
	s8 =	simm.s32 $_tile_overlayer_lowered  }
0x9d: {  	s22 =	simm.s32 $0x1BFF;
	s21 =	sshll.u32 s8, $0x1;
	s5 =	sadd.s32 s6, s19  }
0x9e: {  	s9 =	simm.s32 $0x0;
	s20 =	sshll.u32 s7, $0x1;
	s7 =	sadd.s32 s21, s5  }
0x9f: {  	[timem:s9], [sflag:s22] =	dma.local [hbm:s7], s20  }
0xa0: {  	_ =	swait.ge [sflag:s22], s20  }
0xa1: {  	s6 =	ssub.s32 $0x0, s20;
	[sflag:s22] =	ssyncset.done $0x0  }
0xa2: {  	[sflag:s22] =	ssyncadd.s32 s6;
	_ =	sdelay $0x1  }
0xa3: {  	s23 =	simm.s32 $0x1B8B  }
0xa4: {  	_ =	swait.ge [sflag:s23], $0x1  }
0xa5: {  	[sflag:s23] =	ssyncset.done $0x0  }
0xa6: {  	s25 =	simm.s32 $0x1B8E;
	s24 =	sld [smem:$0x3FFE];
	[sflag:s23] =	ssyncadd.s32 $0xFFFFFFFF  }
0xa7: {  	s26 =	simm.s32 $execute0_lowered;
	[smem:$0x3FD2] =	sst s25  }
0xa8: {  	s7 =	sshll.u32 s26, $0x1;
	_ =	strace $0x80000046;
	[dreg:$0x1] =	wrdreg $0xFFFFFFFF  }
0xa9: {  	s28 =	simm.s32 $_size_execute0_lowered;
	s5 =	sadd.s32 s5, s7;
	[dreg:$0x0] =	wrdreg $0x0  }
0xaa: {  	s7 =	sshll.u32 s28, $0x1;
	[dreg:$0x2] =	wrdreg s5  }
0xab: {  	[dreg:$0x3] =	wrdreg s7  }
0xac: {  	[dreg:$0x4] =	wrdreg $0xC0  }
0xad: {  	_ =	task [dreg:s9], $0x5FFFF  }
0xae: {  	[dreg:$0x1] =	wrdreg $0xFFFFFFFF  }
0xaf: {  	[dreg:$0x0] =	wrdreg $0x60  }
0xb0: {  	[dreg:$0x2] =	wrdreg s2  }
0xb1: {  	[dreg:$0x3] =	wrdreg s18  }
0xb2: {  	[dreg:$0x4] =	wrdreg s24  }
0xb3: {  	[dreg:$0x5] =	wrdreg s4  }
0xb4: {  	[dreg:$0x6] =	wrdreg $0x9  }
0xb5: {  	_ =	task.clear_ibuf [dreg:s9], $0x7FFFF;
	_ =	strace $0x90000046  }
0xb6: {  	s29 =	simm.s32 $0x9;
	_ =	strace $0x80000048  }
0xb7: {  	_ =	swait.ge [sflag:s29], $0x1  }
0xb8: {  	[sflag:s29] =	ssyncadd.s32 $0xFFFFFFFF  }
0xb9: {  	_ =	strace $0x90000048  }
0xba: {  	_ =	sfence  }
0xbb: {  	s30 =	sld [smem:$0x0];
	_ =	sdelay $0x2  }
0xbc: {  	s31 =	sshll.u32 s1, $0xD;
	s1 =	sshrl.u32 s1, $0x2  }
0xbd: {  	s3 =	sand.u32 $0x4000, s31;
	s1 =	sadd.s32 s1, s30  }
0xbe: {  	s0 =	sor.u32 s3, s0;
	s1 =	sshll.u32 s1, $0x11  }
0xbf: {  	s0 =	sor.u32 s1, s0  }
0xc0: {  	s0 =	sadd.s32 $0x8F2B, s0  }
0xc1: {  	[sflag:s0] =	ssyncadd.remote.s32 $0x1  }
0xc2: {  	_ =	sfence.sel $0xFFFF  }
0xc3: {  	[dreg:$0x0] =	wrdreg $0xFFFFFFFF;
	(pc) =	sbr.abs _section_cstart, $3  }
0xc4: {  	[dreg:$0x1] =	wrdreg $0xFFFFFFFF  }
0xc5: {  	_ =	task.clear_ibuf [dreg:s9], $0x2FFFF;
	_ =	strace $0x9FFFFFFF  }
0xc6: {  	(tm) =	ssettm $0x7FFFFFFF  }
0xc7: {  	_ =	shalt  }
tec
execute0_lowered:
.L_overlay_start_1:
0x0: {  	(tag) =	ssettag $0x1  }
0x1: {  	s5 =	rddreg [dreg:$0x0]  }
0x2: {  	s2 =	rddreg [dreg:$0x1]  }
0x3: {  	s6 =	rddreg [dreg:$0x2]  }
0x4: {  	s3 =	rddreg [dreg:$0x3]  }
0x5: {  	s1 =	stileid.u32;
	s4 =	srdreg.scid  }
0x6: {  	s0 =	rddreg [dreg:$0x4];
	s14 =	simm.s32 $0x0;
	s7 =	sand.u32 $0x1, s4  }
0x7: {  	s8 =	sshll.u32 s1, $0x1;
	s4 =	simm.s32 $0x0;
	s10 =	sshrl.u32 s1, $0x1  }
0x8: {  	s12 =	sor.u32 s7, s8;
	[smem:$0x7FF] =	sst s4;
	s31 =	sshll.u32 s10, $0x4  }
0x9: {  	s7 =	ssub.s32 $0x2, s7;
	v1 =	vmov s10;
	s10 =	simm.s32 $0x80;
	s9 =	sand.u32 $0x3, s12  }
0xa: {  	s6 =	sadd.s32 s31, s6;
	_ =	strace $0x80000047;
	s13 =	sshrl.u32 s7, $0x1  }
0xb: {  	s5 =	sadd.s32 s5, s31;
	p0 =	sne.s32 s12, $0x0;
	s12 =	simm.s32 $0x1  }
0xc: {  	s11 =	sshll.u32 s9, $0xB;
	s7 =	ssub.s32 s7, s13;
	s8 =	sshll.u32 s9, $0x8  }
0xd: {  	v0 =	vlaneseq.u32;
	vm0 =	vmmov $0x7fff;
	s9 =	sshll.u32 s9, $0x7;
	s13 =	simm.s32 $0x480;
	s6 =	sadd.s32 s11, s6  }
0xe: {  	v2 =	vor.u32 $0x400, v0;
	vm1 =	vcmask @!p0 $0x2300;
	vm2 =	vmmov @!p0 $0xff;
	s7 =	smax.u32 s7, $0x1;
	s11 =	simm.s32 $0x400;
	s6 =	sadd.s32 $0xA00, s6  }
.LBB2_1:
0xf: {  	[tilespmem:s4], [sflag:$0x1] =	stream.strided.gather [hbm4b:s5+s10], $0x400, s11, s10, $0x38;
	[tilespmem:$0xD00] =	vst v63  }
0x10: {  	_ =	swait.ge [sflag:s12], $0x400  }
0x11: {  	[sflag:s12] =	ssyncset.done $0x0  }
0x12: {  	[sflag:s12] =	ssyncadd.s32 $0xFFFFFC00  }
0x13: {  	[tilespmem:s11], [sflag:$0x1] =	stream.linear.gather [hbm4b:s2+s4], $0x80, $0x38;
	[tilespmem:$0xD00] =	vst v63  }
0x14: {  	_ =	swait.ge [sflag:s12], $0x80  }
0x15: {  	[sflag:s12] =	ssyncset.done $0x0  }
0x16: {  	[sflag:s12] =	ssyncadd.s32 $0xFFFFFF80  }
0x17: {  	v3 =	vld.idx.msk [tilespmem:v1+s11+$0x0], $0xffff;
	_ =	sdelay $0x3  }
0x18: {  	p1 =	sgt.s32 s8, $0x7;
	s15 =	smov.u32 s8  }
0x19: {  	s15 =	simm.s32 @!p1 $0x7;
	v4 =	vshll.u32 v3, $0x1  }
0x1a: {  	s15 =	sadd.s32 $0xFFFFFFF9, s15;
	v4 =	vadd.s32 $0xFFFFFFF0, v4  }
0x1b: {  	vm3 =	vlt.s32 v4, s15  }
0x1c: {  	v5 =	vnsel vm3, s15, v4  }
0x1d: {  	v6 =	vadd.s32 v0, v5  }
0x1e: {  	s15 =	sadd.s32 $0x2, s8;
	v5 =	vadd.s32 v2, v5;
	vm3 =	vlt.s32 v6, $0x0  }
0x1f: {  	p1 =	sgt.s32 s15, $0x7;
	v5 =	vsel vm3, v5, v6  }
0x20: {  	s15 =	simm.s32 @!p1 $0x7  }
0x21: {  	s15 =	sadd.s32 $0xFFFFFFF9, s15  }
0x22: {  	vm3 =	vlt.s32 v4, s15  }
0x23: {  	v6 =	vnsel vm3, s15, v4  }
0x24: {  	v7 =	vadd.s32 v0, v6;
	v5 =	vld.idx.msk [tilespmem:v5+s4+$0x0], $0xffff  }
0x25: {  	s17 =	sadd.s32 $0x0, s9;
	s15 =	sadd.s32 $0x4, s8;
	v6 =	vadd.s32 v2, v6;
	vm3 =	vlt.s32 v7, $0x0  }
0x26: {  	v8 =	vmov s17;
	p1 =	sgt.s32 s15, $0x7;
	v6 =	vsel vm3, v6, v7  }
0x27: {  	s15 =	simm.s32 @!p1 $0x7;
	vm3 =	vlt.s32 v8, v3  }
0x28: {  	s16 =	sadd.s32 $0xFFFFFFF9, s15;
	vm3 =	vmand vm3, vm0  }
0x29: {  	s15 =	simm.s32 $0x4A0;
	v5 =	vnsel vm3, $0x400, v5;
	vm3 =	vlt.s32 v4, s16  }
0x2a: {  	[tilespmem:s15+$0xFFFFFFE0] =	vst v5;
	v5 =	vnsel vm3, s16, v4  }
0x2b: {  	v6 =	vld.idx.msk [tilespmem:v6+s4+$0x0], $0xffff;
	v7 =	vadd.s32 v0, v5  }
0x2c: {  	s18 =	sadd.s32 $0x1, s17;
	s16 =	sadd.s32 $0x6, s8;
	v5 =	vadd.s32 v2, v5;
	vm3 =	vlt.s32 v7, $0x0  }
0x2d: {  	v8 =	vmov s18;
	p1 =	sgt.s32 s16, $0x7;
	v5 =	vsel vm3, v5, v7  }
0x2e: {  	s16 =	simm.s32 @!p1 $0x7;
	vm3 =	vlt.s32 v8, v3  }
0x2f: {  	s16 =	sadd.s32 $0xFFFFFFF9, s16;
	vm3 =	vmand vm3, vm0  }
0x30: {  	vm4 =	vlt.s32 v4, s16;
	v6 =	vnsel vm3, $0x400, v6  }
0x31: {  	v7 =	vnsel vm4, s16, v4;
	[tilespmem:s15+$0xFFFFFFF0] =	vst v6  }
0x32: {  	s31 =	sadd.s32 $0x2, s17;
	v8 =	vadd.s32 v0, v7;
	v5 =	vld.idx.msk [tilespmem:v5+s4+$0x0], $0xffff  }
0x33: {  	s16 =	sadd.s32 $0x8, s8;
	vm3 =	vlt.s32 v8, $0x0;
	v6 =	vadd.s32 v2, v7;
	v7 =	vmov s31  }
0x34: {  	s19 =	simm.s32 $0x8;
	s18 =	simm.s32 $0x4;
	p2 =	sgt.s32 s16, $0x7;
	v6 =	vsel vm3, v6, v8;
	vm3 =	vlt.s32 v7, v3  }
.LBB2_2:
0x35: {  	s20 =	smov.u32 s16  }
0x36: {  	p1 =	sne.s32 s19, $0x7C;
	vm3 =	vmand vm3, vm0;
	s20 =	simm.s32 @!p2 $0x7  }
0x37: {  	v5 =	vnsel vm3, $0x400, v5;
	s20 =	sadd.s32 $0xFFFFFFF9, s20  }
0x38: {  	vm3 =	vlt.s32 v4, s20;
	[tilespmem:s15+$0x0] =	vst v5  }
0x39: {  	v5 =	vnsel vm3, s20, v4;
	v6 =	vld.idx.msk [tilespmem:v6+s4+$0x0], $0xffff  }
0x3a: {  	v7 =	vadd.s32 v0, v5  }
0x3b: {  	s17 =	sadd.s32 $0x3, s17;
	v5 =	vadd.s32 v2, v5;
	vm3 =	vlt.s32 v7, $0x0  }
0x3c: {  	s20 =	sadd.s32 $0x2, s16;
	v5 =	vsel vm3, v5, v7;
	v7 =	vmov s17  }
0x3d: {  	p2 =	sgt.s32 s20, $0x7;
	vm3 =	vlt.s32 v7, v3  }
0x3e: {  	s20 =	simm.s32 @!p2 $0x7;
	vm3 =	vmand vm3, vm0  }
0x3f: {  	s17 =	sadd.s32 $0xFFFFFFF9, s20;
	v6 =	vnsel vm3, $0x400, v6  }
0x40: {  	vm3 =	vlt.s32 v4, s17;
	[tilespmem:s15+$0x10] =	vst v6  }
0x41: {  	v6 =	vnsel vm3, s17, v4;
	v5 =	vld.idx.msk [tilespmem:v5+s4+$0x0], $0xffff  }
0x42: {  	v7 =	vadd.s32 v0, v6  }
0x43: {  	s17 =	sadd.s32 s18, s9;
	s18 =	smov.u32 s19;
	v6 =	vadd.s32 v2, v6;
	vm3 =	vlt.s32 v7, $0x0  }
0x44: {  	s20 =	sadd.s32 $0x4, s16;
	v8 =	vmov s17;
	v6 =	vsel vm3, v6, v7  }
0x45: {  	p2 =	sgt.s32 s20, $0x7;
	vm3 =	vlt.s32 v8, v3  }
0x46: {  	s20 =	simm.s32 @!p2 $0x7;
	vm3 =	vmand vm3, vm0  }
0x47: {  	s20 =	sadd.s32 $0xFFFFFFF9, s20;
	s15 =	sadd.s32 $0x40, s15;
	v5 =	vnsel vm3, $0x400, v5  }
0x48: {  	vm3 =	vlt.s32 v4, s20;
	[tilespmem:s15+$0xFFFFFFE0] =	vst v5  }
0x49: {  	v5 =	vld.idx.msk [tilespmem:v6+s4+$0x0], $0xffff;
	v6 =	vnsel vm3, s20, v4  }
0x4a: {  	v7 =	vadd.s32 v0, v6  }
0x4b: {  	s20 =	sadd.s32 $0x1, s17;
	v6 =	vadd.s32 v2, v6;
	vm3 =	vlt.s32 v7, $0x0  }
0x4c: {  	v8 =	vmov s20;
	s20 =	sadd.s32 $0x6, s16;
	v6 =	vsel vm3, v6, v7  }
0x4d: {  	p2 =	sgt.s32 s20, $0x7;
	vm3 =	vlt.s32 v8, v3  }
0x4e: {  	s20 =	simm.s32 @!p2 $0x7;
	vm3 =	vmand vm3, vm0  }
0x4f: {  	s20 =	sadd.s32 $0xFFFFFFF9, s20;
	v5 =	vnsel vm3, $0x400, v5  }
0x50: {  	vm3 =	vlt.s32 v4, s20;
	[tilespmem:s15+$0xFFFFFFF0] =	vst v5  }
.Ltmp0:
0x51: {  	v5 =	vld.idx.msk [tilespmem:v6+s4+$0x0], $0xffff;
	v6 =	vnsel vm3, s20, v4;
	(pc) =	sbr.rel @p1 .LBB2_2-.Ltmp0, $4  }
0x52: {  	v7 =	vadd.s32 v0, v6  }
0x53: {  	s20 =	sadd.s32 $0x2, s17;
	v6 =	vadd.s32 v2, v6;
	vm3 =	vlt.s32 v7, $0x0  }
0x54: {  	s16 =	sadd.s32 $0x8, s16;
	v8 =	vmov s20;
	v6 =	vsel vm3, v6, v7  }
0x55: {  	s19 =	sadd.s32 $0x4, s19;
	p2 =	sgt.s32 s16, $0x7;
	vm3 =	vlt.s32 v8, v3  }
0x56: {  	s19 =	smov.u32 s16  }
0x57: {  	s19 =	simm.s32 @!p2 $0x7  }
0x58: {  	vm3 =	vmand vm3, vm0;
	s19 =	sadd.s32 $0xFFFFFFF9, s19  }
0x59: {  	v5 =	vnsel vm3, $0x400, v5;
	vm3 =	vlt.s32 v4, s19  }
0x5a: {  	[tilespmem:s15+$0x0] =	vst v5;
	v54 =	vnsel vm3, s19, v4  }
0x5b: {  	v6 =	vld.idx.msk [tilespmem:v6+s4+$0x0], $0xffff;
	v7 =	vadd.s32 v0, v54  }
0x5c: {  	s17 =	sadd.s32 $0x3, s17;
	s19 =	sadd.s32 $0x2, s16;
	v5 =	vadd.s32 v2, v54;
	vm3 =	vlt.s32 v7, $0x0  }
0x5d: {  	v55 =	vmov s17;
	p1 =	sgt.s32 s19, $0x7;
	v5 =	vsel vm3, v5, v7  }
0x5e: {  	s19 =	simm.s32 @!p1 $0x7;
	vm3 =	vlt.s32 v55, v3  }
0x5f: {  	s25 =	sadd.s32 $0xFFFFFFF9, s19;
	vm3 =	vmand vm3, vm0  }
0x60: {  	v6 =	vnsel vm3, $0x400, v6;
	vm3 =	vlt.s32 v4, s25  }
0x61: {  	[tilespmem:s15+$0x10] =	vst v6;
	v56 =	vnsel vm3, s25, v4  }
0x62: {  	v57 =	vadd.s32 v0, v56;
	v5 =	vld.idx.msk [tilespmem:v5+s4+$0x0], $0xffff  }
0x63: {  	s26 =	sadd.s32 s18, s9;
	s18 =	sadd.s32 $0x4, s16;
	v6 =	vadd.s32 v2, v56;
	vm3 =	vlt.s32 v57, $0x0  }
0x64: {  	v8 =	vmov s26;
	p1 =	sgt.s32 s18, $0x7;
	v6 =	vsel vm3, v6, v57  }
0x65: {  	s18 =	simm.s32 @!p1 $0x7;
	vm3 =	vlt.s32 v8, v3  }
0x66: {  	s18 =	sadd.s32 $0xFFFFFFF9, s18;
	vm3 =	vmand vm3, vm0  }
0x67: {  	s28 =	sadd.s32 $0x40, s15;
	v5 =	vnsel vm3, $0x400, v5;
	vm3 =	vlt.s32 v4, s18  }
0x68: {  	[tilespmem:s28+$0xFFFFFFE0] =	vst v5;
	v58 =	vnsel vm3, s18, v4  }
0x69: {  	v6 =	vld.idx.msk [tilespmem:v6+s4+$0x0], $0xffff;
	v59 =	vadd.s32 v0, v58  }
0x6a: {  	s29 =	sadd.s32 $0x1, s26;
	s16 =	sadd.s32 $0x6, s16;
	v5 =	vadd.s32 v2, v58;
	vm3 =	vlt.s32 v59, $0x0  }
0x6b: {  	v60 =	vmov s29;
	p1 =	sgt.s32 s16, $0x7;
	v5 =	vsel vm3, v5, v59  }
0x6c: {  	s16 =	simm.s32 @!p1 $0x7;
	vm3 =	vlt.s32 v60, v3  }
0x6d: {  	s16 =	sadd.s32 $0xFFFFFFF9, s16;
	vm3 =	vmand vm3, vm0  }
0x6e: {  	v6 =	vnsel vm3, $0x400, v6;
	vm3 =	vlt.s32 v4, s16  }
0x6f: {  	[tilespmem:s28+$0xFFFFFFF0] =	vst v6;
	v4 =	vnsel vm3, s16, v4  }
0x70: {  	v5 =	vld.idx.msk [tilespmem:v5+s4+$0x0], $0xffff;
	v61 =	vadd.s32 v0, v4  }
0x71: {  	s30 =	sadd.s32 $0x2, s26;
	v4 =	vadd.s32 v2, v4;
	vm3 =	vlt.s32 v61, $0x0  }
0x72: {  	v62 =	vmov s30;
	v4 =	vsel vm3, v4, v61  }
0x73: {  	vm3 =	vlt.s32 v62, v3  }
0x74: {  	vm3 =	vmand vm3, vm0  }
0x75: {  	v5 =	vnsel vm3, $0x400, v5  }
0x76: {  	[tilespmem:s28+$0x0] =	vst v5  }
0x77: {  	v4 =	vld.idx.msk [tilespmem:v4+s4+$0x0], $0xffff  }
0x78: {  	s31 =	sadd.s32 $0x3, s26;
	v5 =	vimm.s32 @!p0 $0x76543210  }
0x79: {  	v63 =	vmov s31;
	v5 =	vunpack.c.l.s4.s8 @!p0 v5  }
0x7a: {  	vm3 =	vlt.s32 v63, v3  }
0x7b: {  	vm3 =	vmand vm3, vm0;
	v3 =	vunpack.c.0.s8.s32 @!p0 v5  }
0x7c: {  	v4 =	vnsel vm3, $0x400, v4  }
0x7d: {  	v3 =	vnsel @!p0 vm1, $0x0, v3;
	[tilespmem:s28+$0x10] =	vst v4  }
0x7e: {  	[hbm4b:s6+s10] =	stream.strided.scatter [tilespmem:s13], [sflag:$0x1], $0x800, s11, s10, $0x38;
	[tilespmem:$0xD00] =	vst v63  }
0x7f: {  	_ =	swait.ge [sflag:s12], $0x800  }
0x80: {  	[sflag:s12] =	ssyncset.done $0x0  }
0x81: {  	s15 =	simm.s32 @!p0 $0x400;
	[sflag:s12] =	ssyncadd.s32 $0xFFFFF800  }
0x82: {  	v3 =	vld.idx.msk @!p0 [tilespmem:v3+s15+$0x0], $0xffff;
	_ =	sdelay $0x4  }
0x83: {  	v3 =	vnsel @!p0 vm2, $0x0, v3  }
0x84: {  	(xrf0) =	vadd.scan.msk.s32 @!p0 $0xffff, v3;
	_ =	sdelay $0x5  }
0x85: {  	v3, _, _ =	vpop @!p0 (xrf0)  }
0x86: {  	v3 =	vbroadcast @!p0 v3, $0xF  }
0x87: {  	s14 =	sadd.s32 $0x1, s14  }
0x88: {  	p1 =	sne.s32 s14, s7;
	s16 =	simm.s32 @!p0 $0xC80;
	s15 =	simm.s32 @!p0 $0x0;
	[tilespmem:$0xC80] =	vst @!p0 v3  }
0x89: {  	[hbm4b:s3+s15] =	stream.linear.scatter @!p0 [tilespmem:s16], [sflag:$0x1], $0x80, $0x38;
	[tilespmem:$0xD00] =	vst v63  }
.Ltmp1:
0x8a: {  	_ = 	snop;
	(pc) =	sbr.rel @p1 .LBB2_1-.Ltmp1, $4  }
0x8b: {  	s15 =	simm.s32 @!p0 $0x1  }
0x8c: {  	_ =	swait.ge @!p0 [sflag:s15], $0x80  }
0x8d: {  	[sflag:s15] =	ssyncset.done @!p0 $0x0  }
0x8e: {  	[sflag:s15] =	ssyncadd.s32 @!p0 $0xFFFFFF80  }
0x8f: {  	_ =	sfence.sel $0x180000  }
0x90: {  	[bflag:$0x0] =	sbarrier.arrive $0xFFFF  }
0x91: {  	p0 =	sne.s32 s1, $0x0;
	_ =	strace $0x90000047  }
0x92: {  	s0 =	sadd.s32 @!p0 $0x100000, s0;
	[bflag:$0x2] =	sbarrier.arrive $0xFFFF  }
0x93: {  	[sflag:s0] =	ssyncadd.tile.s32 @!p0 $0x1;
	_ =	shalt  }
.Lfunc_end2:
_tile_overlayer_lowered:
.L_overlay_start_2:
0x94: {  	(tag) =	ssettag $0x2  }
0x95: {  	s0 =	rddreg [dreg:$0x0];
	s2 =	stileid.u32  }
0x96: {  	s1 =	rddreg [dreg:$0x1];
	p0 =	sne.s32 s2, $0x0  }
0x97: {  	s3 =	rddreg [dreg:$0x2];
	[bflag:$0x3] =	sbarrier.arrive $0xFFFF;
	s2 =	simm.s32 @!p0 $0x1C01  }
0x98: {  	[timem:s3], [sflag:s2] =	dma.local @!p0 [hbm:s0], s1  }
0x99: {  	s0 =	simm.s32 @!p0 $0x1  }
0x9a: {  	_ =	swait.ge @!p0 [sflag:s0], s1  }
0x9b: {  	s1 =	ssub.s32 @!p0 $0x0, s1;
	[sflag:s0] =	ssyncset.done @!p0 $0x0  }
0x9c: {  	[sflag:s0] =	ssyncadd.s32 @!p0 s1  }
0x9d: {  	[bflag:$0x3] =	sbarrier.arrive $0xFFFF  }
0x9e: {  	_ =	shalt  }

</sc_bundles>
